<compile_context>
chip_gen: v7x
topology: tpu7x:2x2x1
jax: 0.10.2.dev20260603
libtpu: 0.0.44.dev20260713+nightly
codegen_flags: <defaults>
</compile_context>

<pallas_src>
import jax
import jax.numpy as jnp
from jax import lax
from jax.experimental import pallas as pl
from jax.experimental.pallas import tpu as pltpu
from jax.experimental.pallas import tpu_sc as plsc

_B = 16384
_K = 128
_L = 16
_NC = 2
_NS = 16
_NW = _NC * _NS
_BPW = _B // _NW
_CHUNK = 256
_NCHUNK = _BPW // _CHUNK
_VPR = _K // _L


def _softmax_chunk(rows):

  @pl.loop(0, _CHUNK, unroll=4)
  def _row(r):
    vals = []
    for j in range(_VPR):
      vals.append(jnp.exp(rows[r, pl.ds(j * _L, _L)]))
    part = vals[0]
    for j in range(1, _VPR):
      part = part + vals[j]
    total = plsc.cumsum(part)[_L - 1]
    total_v = jnp.zeros((_L,), jnp.float32) + total
    inv = jnp.full((_L,), 1.0, jnp.float32) / total_v
    for j in range(_VPR):
      rows[r, pl.ds(j * _L, _L)] = vals[j] * inv


def _softmax_gather_body(uid_hbm, table_hbm, out_hbm, idx_v, rows_v, gsem,
                         osem):
  wid = lax.axis_index("s") * _NC + lax.axis_index("c")
  base = wid * _BPW

  pltpu.sync_copy(uid_hbm.at[pl.ds(base, _BPW)], idx_v)

  def gather(c):
    return pltpu.async_copy(
        table_hbm.at[idx_v.at[pl.ds(c * _CHUNK, _CHUNK)]],
        rows_v.at[c % 2],
        gsem,
    )

  out_copies = [None, None]
  gat = [None, None]
  gat[0] = gather(0)
  for c in range(_NCHUNK):
    if c + 1 < _NCHUNK:
      if out_copies[(c + 1) % 2] is not None:
        for cp in out_copies[(c + 1) % 2]:
          cp.wait()
        out_copies[(c + 1) % 2] = None
      gat[(c + 1) % 2] = gather(c + 1)
    gat[c % 2].wait()
    _softmax_chunk(rows_v.at[c % 2])
    out_copies[c % 2] = [
        pltpu.async_copy(
            rows_v.at[c % 2],
            out_hbm.at[pl.ds(base + c * _CHUNK, _CHUNK)],
            osem,
        )
    ]
  for subs in out_copies:
    if subs is not None:
      for cp in subs:
        cp.wait()


@jax.jit
def _softmax_gather(uid, table):
  mesh = plsc.VectorSubcoreMesh(core_axis_name="c", subcore_axis_name="s")
  return pl.kernel(
      _softmax_gather_body,
      out_type=jax.ShapeDtypeStruct((_B, _K), jnp.float32),
      mesh=mesh,
      compiler_params=pltpu.CompilerParams(needs_layout_passes=False),
      scratch_types=[
          pltpu.VMEM((_BPW,), jnp.int32),
          pltpu.VMEM((2, _CHUNK, _K), jnp.float32),
          pltpu.SemaphoreType.DMA,
          pltpu.SemaphoreType.DMA,
      ],
  )(uid, table)


def kernel(uid, matrix):
  return _softmax_gather(uid.astype(jnp.int32), matrix)

# --- scband reference (transcript-rebuilt; emitter-appended) ---
"""Pipeline reference for scband-learnable-matrix-80934363726127 (READ-ONLY COPY).

The authoritative reference and input builder live on the scoring server;
editing this copy changes nothing except your own understanding.
"""

import jax, jax.numpy as jnp
import numpy as np

NUM = 1000000
K = 128
BATCH = 16384

def setup_inputs(seed: int = 0) -> dict:
    key = jax.random.key(seed)
    k1, k2 = jax.random.split(key)
    uid = jax.random.randint(k1, (BATCH,), 0, NUM, dtype=jnp.int64 if jax.config.read('jax_enable_x64') else jnp.int32)
    matrix = jax.random.normal(k2, (NUM, K), dtype=jnp.float32)
    return {"uid": uid, "matrix": matrix}

def reference(uid, matrix):
    rows = jnp.take(matrix, uid, axis=0)
    return jax.nn.softmax(rows, axis=1)

if __name__ == "__main__":
    import jax
    _d = setup_inputs()
    print(jax.jit(kernel)(*tuple(_d.values())))

</pallas_src>

<mosaic_0001>
#map = affine_map<(d0, d1) -> (0)>
#map1 = affine_map<(d0, d1) -> (0, 0)>
module attributes {stable_mosaic.version = 14 : i64} {
  func.func @_softmax_gather_body(%arg0: i32, %arg1: i32, %arg2: memref<16384xi32, #tpu.memory_space<hbm>>, %arg3: memref<1000000x128xf32, #tpu.memory_space<hbm>>, %arg4: memref<16384x128xf32, #tpu.memory_space<hbm>>, %arg5: memref<512xi32, #tpu.memory_space<vmem>>, %arg6: memref<2x256x128xf32, #tpu.memory_space<vmem>>, %arg7: memref<!tpu.dma_semaphore, #tpu.memory_space<semaphore_mem>>, %arg8: memref<!tpu.dma_semaphore, #tpu.memory_space<semaphore_mem>>) attributes {dimension_semantics = [#tpu.dimension_semantics<core_parallel>, #tpu.dimension_semantics<subcore_parallel>], iteration_bounds = array<i64: 2, 16>, scalar_prefetch = 0 : i64, scratch_operands = 4 : i64, tpu.core_type = #tpu.core_type<sc_vector_subcore>, window_params = [{transform_indices = #map}, {transform_indices = #map1}, {transform_indices = #map1}]} {
    %mul3A = arith.constant 2 : i32
    %mul3A_0 = arith.muli %arg1, %mul3A : i32
    %add3A = arith.addi %mul3A_0, %arg0 : i32
    %mul3A_1 = arith.constant 512 : i32
    %mul3A_2 = arith.muli %add3A, %mul3A_1 : i32
    "tpu.region"() ({
      %run_scoped3A = tpu.sem_alloc : memref<!tpu.dma_semaphore, #tpu.memory_space<semaphore_mem>>
      %dma_start3A_108 = tpu.memref_slice %arg2[%mul3A_2] : memref<16384xi32, #tpu.memory_space<hbm>> -> memref<512xi32, #tpu.memory_space<hbm>>
      %dma_start3A_109 = tpu.memref_slice %arg2[%mul3A_2] : memref<16384xi32, #tpu.memory_space<hbm>> -> memref<512xi32, #tpu.memory_space<hbm>>
      tpu.enqueue_dma source(%dma_start3A_109 : memref<512xi32, #tpu.memory_space<hbm>>) target(%arg5 : memref<512xi32, #tpu.memory_space<vmem>>) target_semaphore(%run_scoped3A : memref<!tpu.dma_semaphore, #tpu.memory_space<semaphore_mem>>)
      %dma_wait3A_110 = tpu.memref_slice %arg2[%mul3A_2] : memref<16384xi32, #tpu.memory_space<hbm>> -> memref<512xi32, #tpu.memory_space<hbm>>
      %dma_wait3A_111 = tpu.memref_slice %arg2[%mul3A_2] : memref<16384xi32, #tpu.memory_space<hbm>> -> memref<512xi32, #tpu.memory_space<hbm>>
      tpu.wait_dma2 semaphore(%run_scoped3A : memref<!tpu.dma_semaphore, #tpu.memory_space<semaphore_mem>>) src(%dma_wait3A_111 : memref<512xi32, #tpu.memory_space<hbm>>) dst(%arg5 : memref<512xi32, #tpu.memory_space<vmem>>)
      tpu.yield
    }) : () -> ()
    %dma_start3A = arith.constant 0 : i32
    %dma_start3A_3 = arith.constant 0 : i32
    %dma_start3A_4 = arith.constant 0 : i32
    %dma_start3A_5 = tpu.memref_slice %arg6[%dma_start3A, %dma_start3A_3, %dma_start3A_4] : memref<2x256x128xf32, #tpu.memory_space<vmem>> -> memref<1x256x128xf32, #tpu.memory_space<vmem>>
    %dma_start3A_6 = tpu.memref_squeeze %dma_start3A_5 : memref<1x256x128xf32, #tpu.memory_space<vmem>> -> memref<256x128xf32, #tpu.memory_space<vmem>>
    %dma_start3A_7 = arith.constant 0 : i32
    %dma_start3A_8 = tpu.memref_slice %arg5[%dma_start3A_7] : memref<512xi32, #tpu.memory_space<vmem>> -> memref<256xi32, #tpu.memory_space<vmem>>
    %dma_start3A_9 = arith.constant 0 : i32
    %dma_start3A_10 = arith.constant 0 : i32
    %dma_start3A_11 = tpu.memref_slice %arg3[%dma_start3A_9, %dma_start3A_10] : memref<1000000x128xf32, #tpu.memory_space<hbm>> -> memref<1000000x128xf32, #tpu.memory_space<hbm>>
    tpu.enqueue_indirect_dma source(%dma_start3A_11 : memref<1000000x128xf32, #tpu.memory_space<hbm>>) target(%dma_start3A_6 : memref<256x128xf32, #tpu.memory_space<vmem>>) offsets(%dma_start3A_8 : memref<256xi32, #tpu.memory_space<vmem>>) semaphore(%arg7 : memref<!tpu.dma_semaphore, #tpu.memory_space<semaphore_mem>>)
    %dma_start3A_12 = arith.constant 1 : i32
    %dma_start3A_13 = arith.constant 0 : i32
    %dma_start3A_14 = arith.constant 0 : i32
    %dma_start3A_15 = tpu.memref_slice %arg6[%dma_start3A_12, %dma_start3A_13, %dma_start3A_14] : memref<2x256x128xf32, #tpu.memory_space<vmem>> -> memref<1x256x128xf32, #tpu.memory_space<vmem>>
    %dma_start3A_16 = tpu.memref_squeeze %dma_start3A_15 : memref<1x256x128xf32, #tpu.memory_space<vmem>> -> memref<256x128xf32, #tpu.memory_space<vmem>>
    %dma_start3A_17 = arith.constant 256 : i32
    %dma_start3A_18 = tpu.memref_slice %arg5[%dma_start3A_17] : memref<512xi32, #tpu.memory_space<vmem>> -> memref<256xi32, #tpu.memory_space<vmem>>
    %dma_start3A_19 = arith.constant 0 : i32
    %dma_start3A_20 = arith.constant 0 : i32
    %dma_start3A_21 = tpu.memref_slice %arg3[%dma_start3A_19, %dma_start3A_20] : memref<1000000x128xf32, #tpu.memory_space<hbm>> -> memref<1000000x128xf32, #tpu.memory_space<hbm>>
    tpu.enqueue_indirect_dma source(%dma_start3A_21 : memref<1000000x128xf32, #tpu.memory_space<hbm>>) target(%dma_start3A_16 : memref<256x128xf32, #tpu.memory_space<vmem>>) offsets(%dma_start3A_18 : memref<256xi32, #tpu.memory_space<vmem>>) semaphore(%arg7 : memref<!tpu.dma_semaphore, #tpu.memory_space<semaphore_mem>>)
    %dma_wait3A = arith.constant 0 : i32
    %dma_wait3A_22 = arith.constant 0 : i32
    %dma_wait3A_23 = arith.constant 0 : i32
    %dma_wait3A_24 = tpu.memref_slice %arg6[%dma_wait3A, %dma_wait3A_22, %dma_wait3A_23] : memref<2x256x128xf32, #tpu.memory_space<vmem>> -> memref<1x256x128xf32, #tpu.memory_space<vmem>>
    %dma_wait3A_25 = tpu.memref_squeeze %dma_wait3A_24 : memref<1x256x128xf32, #tpu.memory_space<vmem>> -> memref<256x128xf32, #tpu.memory_space<vmem>>
    %dma_wait3A_26 = arith.constant 0 : i32
    %dma_wait3A_27 = tpu.memref_slice %arg5[%dma_wait3A_26] : memref<512xi32, #tpu.memory_space<vmem>> -> memref<256xi32, #tpu.memory_space<vmem>>
    %dma_wait3A_28 = arith.constant 0 : i32
    %dma_wait3A_29 = arith.constant 0 : i32
    %dma_wait3A_30 = tpu.memref_slice %arg3[%dma_wait3A_28, %dma_wait3A_29] : memref<1000000x128xf32, #tpu.memory_space<hbm>> -> memref<1000000x128xf32, #tpu.memory_space<hbm>>
    tpu.wait_indirect_dma semaphore(%arg7 : memref<!tpu.dma_semaphore, #tpu.memory_space<semaphore_mem>>) src(%dma_wait3A_30 : memref<1000000x128xf32, #tpu.memory_space<hbm>>) dst(%dma_wait3A_25 : memref<256x128xf32, #tpu.memory_space<vmem>>)
    %scan3A = arith.constant 0 : i32
    %scan3A_31 = arith.constant 0 : i32
    %scan3A_32 = arith.constant 256 : i32
    %scan3A_33 = arith.addi %scan3A_31, %scan3A_32 : i32
    %scan3A_34 = arith.constant 4 : i32
    scf.for %scan3A_108 = %scan3A_31 to %scan3A_33 step %scan3A_34  : i32 {
      %mul3A_109 = arith.constant 1 : i32
      %mul3A_110 = arith.muli %scan3A_108, %mul3A_109 : i32
      %add3A_111 = arith.constant 0 : i32
      %add3A_112 = arith.addi %add3A_111, %mul3A_110 : i32
      %get3A = arith.constant 0 : i32
      %get3A_113 = arith.constant 0 : i32
      %get3A_114 = tpu.memref_slice %arg6[%scan3A, %get3A, %get3A_113] : memref<2x256x128xf32, #tpu.memory_space<vmem>> -> memref<1x256x128xf32, #tpu.memory_space<vmem>>
      %get3A_115 = tpu.memref_squeeze %get3A_114 : memref<1x256x128xf32, #tpu.memory_space<vmem>> -> memref<256x128xf32, #tpu.memory_space<vmem>>
      %get3A_116 = arith.index_cast %add3A_112 : i32 to index
      %get3A_117 = arith.constant 0 : index
      %get3A_118 = tpu.vector_load %get3A_115[%get3A_116, %get3A_117] {strides = array<i32>} : memref<256x128xf32, #tpu.memory_space<vmem>>, vector<16xf32>,
      %exp3A = math.exp %get3A_118 : vector<16xf32>
      %get3A_119 = arith.constant 0 : i32
      %get3A_120 = arith.constant 0 : i32
      %get3A_121 = tpu.memref_slice %arg6[%scan3A, %get3A_119, %get3A_120] : memref<2x256x128xf32, #tpu.memory_space<vmem>> -> memref<1x256x128xf32, #tpu.memory_space<vmem>>
      %get3A_122 = tpu.memref_squeeze %get3A_121 : memref<1x256x128xf32, #tpu.memory_space<vmem>> -> memref<256x128xf32, #tpu.memory_space<vmem>>
      %get3A_123 = arith.index_cast %add3A_112 : i32 to index
      %get3A_124 = arith.constant 16 : index
      %get3A_125 = tpu.vector_load %get3A_122[%get3A_123, %get3A_124] {strides = array<i32>} : memref<256x128xf32, #tpu.memory_space<vmem>>, vector<16xf32>,
      %exp3A_126 = math.exp %get3A_125 : vector<16xf32>
      %get3A_127 = arith.constant 0 : i32
      %get3A_128 = arith.constant 0 : i32
      %get3A_129 = tpu.memref_slice %arg6[%scan3A, %get3A_127, %get3A_128] : memref<2x256x128xf32, #tpu.memory_space<vmem>> -> memref<1x256x128xf32, #tpu.memory_space<vmem>>
      %get3A_130 = tpu.memref_squeeze %get3A_129 : memref<1x256x128xf32, #tpu.memory_space<vmem>> -> memref<256x128xf32, #tpu.memory_space<vmem>>
      %get3A_131 = arith.index_cast %add3A_112 : i32 to index
      %get3A_132 = arith.constant 32 : index
      %get3A_133 = tpu.vector_load %get3A_130[%get3A_131, %get3A_132] {strides = array<i32>} : memref<256x128xf32, #tpu.memory_space<vmem>>, vector<16xf32>,
      %exp3A_134 = math.exp %get3A_133 : vector<16xf32>
      %get3A_135 = arith.constant 0 : i32
      %get3A_136 = arith.constant 0 : i32
      %get3A_137 = tpu.memref_slice %arg6[%scan3A, %get3A_135, %get3A_136] : memref<2x256x128xf32, #tpu.memory_space<vmem>> -> memref<1x256x128xf32, #tpu.memory_space<vmem>>
      %get3A_138 = tpu.memref_squeeze %get3A_137 : memref<1x256x128xf32, #tpu.memory_space<vmem>> -> memref<256x128xf32, #tpu.memory_space<vmem>>
      %get3A_139 = arith.index_cast %add3A_112 : i32 to index
      %get3A_140 = arith.constant 48 : index
      %get3A_141 = tpu.vector_load %get3A_138[%get3A_139, %get3A_140] {strides = array<i32>} : memref<256x128xf32, #tpu.memory_space<vmem>>, vector<16xf32>,
      %exp3A_142 = math.exp %get3A_141 : vector<16xf32>
      %get3A_143 = arith.constant 0 : i32
      %get3A_144 = arith.constant 0 : i32
      %get3A_145 = tpu.memref_slice %arg6[%scan3A, %get3A_143, %get3A_144] : memref<2x256x128xf32, #tpu.memory_space<vmem>> -> memref<1x256x128xf32, #tpu.memory_space<vmem>>
      %get3A_146 = tpu.memref_squeeze %get3A_145 : memref<1x256x128xf32, #tpu.memory_space<vmem>> -> memref<256x128xf32, #tpu.memory_space<vmem>>
      %get3A_147 = arith.index_cast %add3A_112 : i32 to index
      %get3A_148 = arith.constant 64 : index
      %get3A_149 = tpu.vector_load %get3A_146[%get3A_147, %get3A_148] {strides = array<i32>} : memref<256x128xf32, #tpu.memory_space<vmem>>, vector<16xf32>,
      %exp3A_150 = math.exp %get3A_149 : vector<16xf32>
      %get3A_151 = arith.constant 0 : i32
      %get3A_152 = arith.constant 0 : i32
      %get3A_153 = tpu.memref_slice %arg6[%scan3A, %get3A_151, %get3A_152] : memref<2x256x128xf32, #tpu.memory_space<vmem>> -> memref<1x256x128xf32, #tpu.memory_space<vmem>>
      %get3A_154 = tpu.memref_squeeze %get3A_153 : memref<1x256x128xf32, #tpu.memory_space<vmem>> -> memref<256x128xf32, #tpu.memory_space<vmem>>
      %get3A_155 = arith.index_cast %add3A_112 : i32 to index
      %get3A_156 = arith.constant 80 : index
      %get3A_157 = tpu.vector_load %get3A_154[%get3A_155, %get3A_156] {strides = array<i32>} : memref<256x128xf32, #tpu.memory_space<vmem>>, vector<16xf32>,
      %exp3A_158 = math.exp %get3A_157 : vector<16xf32>
      %get3A_159 = arith.constant 0 : i32
      %get3A_160 = arith.constant 0 : i32
      %get3A_161 = tpu.memref_slice %arg6[%scan3A, %get3A_159, %get3A_160] : memref<2x256x128xf32, #tpu.memory_space<vmem>> -> memref<1x256x128xf32, #tpu.memory_space<vmem>>
      %get3A_162 = tpu.memref_squeeze %get3A_161 : memref<1x256x128xf32, #tpu.memory_space<vmem>> -> memref<256x128xf32, #tpu.memory_space<vmem>>
      %get3A_163 = arith.index_cast %add3A_112 : i32 to index
      %get3A_164 = arith.constant 96 : index
      %get3A_165 = tpu.vector_load %get3A_162[%get3A_163, %get3A_164] {strides = array<i32>} : memref<256x128xf32, #tpu.memory_space<vmem>>, vector<16xf32>,
      %exp3A_166 = math.exp %get3A_165 : vector<16xf32>
      %get3A_167 = arith.constant 0 : i32
      %get3A_168 = arith.constant 0 : i32
      %get3A_169 = tpu.memref_slice %arg6[%scan3A, %get3A_167, %get3A_168] : memref<2x256x128xf32, #tpu.memory_space<vmem>> -> memref<1x256x128xf32, #tpu.memory_space<vmem>>
      %get3A_170 = tpu.memref_squeeze %get3A_169 : memref<1x256x128xf32, #tpu.memory_space<vmem>> -> memref<256x128xf32, #tpu.memory_space<vmem>>
      %get3A_171 = arith.index_cast %add3A_112 : i32 to index
      %get3A_172 = arith.constant 112 : index
      %get3A_173 = tpu.vector_load %get3A_170[%get3A_171, %get3A_172] {strides = array<i32>} : memref<256x128xf32, #tpu.memory_space<vmem>>, vector<16xf32>,
      %exp3A_174 = math.exp %get3A_173 : vector<16xf32>
      %add3A_175 = arith.addf %exp3A, %exp3A_126 : vector<16xf32>
      %add3A_176 = arith.addf %add3A_175, %exp3A_134 : vector<16xf32>
      %add3A_177 = arith.addf %add3A_176, %exp3A_142 : vector<16xf32>
      %add3A_178 = arith.addf %add3A_177, %exp3A_150 : vector<16xf32>
      %add3A_179 = arith.addf %add3A_178, %exp3A_158 : vector<16xf32>
      %add3A_180 = arith.addf %add3A_179, %exp3A_166 : vector<16xf32>
      %add3A_181 = arith.addf %add3A_180, %exp3A_174 : vector<16xf32>
      %broadcast_in_dim3A = arith.constant true
      %broadcast_in_dim3A_182 = vector.broadcast %broadcast_in_dim3A : i1 to vector<16xi1>
      %masked_cumsum3A = tpu.scan <sum>, %add3A_181 masked %broadcast_in_dim3A_182 : vector<16xf32>, vector<16xi1> -> vector<16xf32>
      %slice3A = vector.extract_strided_slice %masked_cumsum3A {offsets = [15], sizes = [1], strides = [1]} : vector<16xf32> to vector<1xf32>
      %squeeze3A = vector.extract %slice3A[0] : f32 from vector<1xf32>
      %broadcast_in_dim3A_183 = arith.constant 0.000000e+00 : f32
      %broadcast_in_dim3A_184 = vector.broadcast %broadcast_in_dim3A_183 : f32 to vector<16xf32>
      %add3A_185 = vector.broadcast %squeeze3A : f32 to vector<16xf32>
      %add3A_186 = arith.addf %broadcast_in_dim3A_184, %add3A_185 : vector<16xf32>
      %broadcast_in_dim3A_187 = arith.constant 1.000000e+00 : f32
      %broadcast_in_dim3A_188 = vector.broadcast %broadcast_in_dim3A_187 : f32 to vector<16xf32>
      %div3A = arith.divf %broadcast_in_dim3A_188, %add3A_186 : vector<16xf32>
      %mul3A_189 = arith.mulf %exp3A, %div3A : vector<16xf32>
      %swap3A = arith.constant 0 : i32
      %swap3A_190 = arith.constant 0 : i32
      %swap3A_191 = tpu.memref_slice %arg6[%scan3A, %swap3A, %swap3A_190] : memref<2x256x128xf32, #tpu.memory_space<vmem>> -> memref<1x256x128xf32, #tpu.memory_space<vmem>>
      %swap3A_192 = tpu.memref_squeeze %swap3A_191 : memref<1x256x128xf32, #tpu.memory_space<vmem>> -> memref<256x128xf32, #tpu.memory_space<vmem>>
      %swap3A_193 = arith.index_cast %add3A_112 : i32 to index
      %swap3A_194 = arith.constant 0 : index
      %swap3A_195 = tpu.vector_load %swap3A_192[%swap3A_193, %swap3A_194] {strides = array<i32>} : memref<256x128xf32, #tpu.memory_space<vmem>>, vector<16xf32>,
      tpu.vector_store %swap3A_192[%swap3A_193, %swap3A_194], %mul3A_189 {strides = array<i32>} : memref<256x128xf32, #tpu.memory_space<vmem>>, vector<16xf32>,
      %mul3A_196 = arith.mulf %exp3A_126, %div3A : vector<16xf32>
      %swap3A_197 = arith.constant 0 : i32
      %swap3A_198 = arith.constant 0 : i32
      %swap3A_199 = tpu.memref_slice %arg6[%scan3A, %swap3A_197, %swap3A_198] : memref<2x256x128xf32, #tpu.memory_space<vmem>> -> memref<1x256x128xf32, #tpu.memory_space<vmem>>
      %swap3A_200 = tpu.memref_squeeze %swap3A_199 : memref<1x256x128xf32, #tpu.memory_space<vmem>> -> memref<256x128xf32, #tpu.memory_space<vmem>>
      %swap3A_201 = arith.index_cast %add3A_112 : i32 to index
      %swap3A_202 = arith.constant 16 : index
      %swap3A_203 = tpu.vector_load %swap3A_200[%swap3A_201, %swap3A_202] {strides = array<i32>} : memref<256x128xf32, #tpu.memory_space<vmem>>, vector<16xf32>,
      tpu.vector_store %swap3A_200[%swap3A_201, %swap3A_202], %mul3A_196 {strides = array<i32>} : memref<256x128xf32, #tpu.memory_space<vmem>>, vector<16xf32>,
      %mul3A_204 = arith.mulf %exp3A_134, %div3A : vector<16xf32>
      %swap3A_205 = arith.constant 0 : i32
      %swap3A_206 = arith.constant 0 : i32
      %swap3A_207 = tpu.memref_slice %arg6[%scan3A, %swap3A_205, %swap3A_206] : memref<2x256x128xf32, #tpu.memory_space<vmem>> -> memref<1x256x128xf32, #tpu.memory_space<vmem>>
      %swap3A_208 = tpu.memref_squeeze %swap3A_207 : memref<1x256x128xf32, #tpu.memory_space<vmem>> -> memref<256x128xf32, #tpu.memory_space<vmem>>
      %swap3A_209 = arith.index_cast %add3A_112 : i32 to index
      %swap3A_210 = arith.constant 32 : index
      %swap3A_211 = tpu.vector_load %swap3A_208[%swap3A_209, %swap3A_210] {strides = array<i32>} : memref<256x128xf32, #tpu.memory_space<vmem>>, vector<16xf32>,
      tpu.vector_store %swap3A_208[%swap3A_209, %swap3A_210], %mul3A_204 {strides = array<i32>} : memref<256x128xf32, #tpu.memory_space<vmem>>, vector<16xf32>,
      %mul3A_212 = arith.mulf %exp3A_142, %div3A : vector<16xf32>
      %swap3A_213 = arith.constant 0 : i32
      %swap3A_214 = arith.constant 0 : i32
      %swap3A_215 = tpu.memref_slice %arg6[%scan3A, %swap3A_213, %swap3A_214] : memref<2x256x128xf32, #tpu.memory_space<vmem>> -> memref<1x256x128xf32, #tpu.memory_space<vmem>>
      %swap3A_216 = tpu.memref_squeeze %swap3A_215 : memref<1x256x128xf32, #tpu.memory_space<vmem>> -> memref<256x128xf32, #tpu.memory_space<vmem>>
      %swap3A_217 = arith.index_cast %add3A_112 : i32 to index
      %swap3A_218 = arith.constant 48 : index
      %swap3A_219 = tpu.vector_load %swap3A_216[%swap3A_217, %swap3A_218] {strides = array<i32>} : memref<256x128xf32, #tpu.memory_space<vmem>>, vector<16xf32>,
      tpu.vector_store %swap3A_216[%swap3A_217, %swap3A_218], %mul3A_212 {strides = array<i32>} : memref<256x128xf32, #tpu.memory_space<vmem>>, vector<16xf32>,
      %mul3A_220 = arith.mulf %exp3A_150, %div3A : vector<16xf32>
      %swap3A_221 = arith.constant 0 : i32
      %swap3A_222 = arith.constant 0 : i32
      %swap3A_223 = tpu.memref_slice %arg6[%scan3A, %swap3A_221, %swap3A_222] : memref<2x256x128xf32, #tpu.memory_space<vmem>> -> memref<1x256x128xf32, #tpu.memory_space<vmem>>
      %swap3A_224 = tpu.memref_squeeze %swap3A_223 : memref<1x256x128xf32, #tpu.memory_space<vmem>> -> memref<256x128xf32, #tpu.memory_space<vmem>>
      %swap3A_225 = arith.index_cast %add3A_112 : i32 to index
      %swap3A_226 = arith.constant 64 : index
      %swap3A_227 = tpu.vector_load %swap3A_224[%swap3A_225, %swap3A_226] {strides = array<i32>} : memref<256x128xf32, #tpu.memory_space<vmem>>, vector<16xf32>,
      tpu.vector_store %swap3A_224[%swap3A_225, %swap3A_226], %mul3A_220 {strides = array<i32>} : memref<256x128xf32, #tpu.memory_space<vmem>>, vector<16xf32>,
      %mul3A_228 = arith.mulf %exp3A_158, %div3A : vector<16xf32>
      %swap3A_229 = arith.constant 0 : i32
      %swap3A_230 = arith.constant 0 : i32
      %swap3A_231 = tpu.memref_slice %arg6[%scan3A, %swap3A_229, %swap3A_230] : memref<2x256x128xf32, #tpu.memory_space<vmem>> -> memref<1x256x128xf32, #tpu.memory_space<vmem>>
      %swap3A_232 = tpu.memref_squeeze %swap3A_231 : memref<1x256x128xf32, #tpu.memory_space<vmem>> -> memref<256x128xf32, #tpu.memory_space<vmem>>
      %swap3A_233 = arith.index_cast %add3A_112 : i32 to index
      %swap3A_234 = arith.constant 80 : index
      %swap3A_235 = tpu.vector_load %swap3A_232[%swap3A_233, %swap3A_234] {strides = array<i32>} : memref<256x128xf32, #tpu.memory_space<vmem>>, vector<16xf32>,
      tpu.vector_store %swap3A_232[%swap3A_233, %swap3A_234], %mul3A_228 {strides = array<i32>} : memref<256x128xf32, #tpu.memory_space<vmem>>, vector<16xf32>,
      %mul3A_236 = arith.mulf %exp3A_166, %div3A : vector<16xf32>
      %swap3A_237 = arith.constant 0 : i32
      %swap3A_238 = arith.constant 0 : i32
      %swap3A_239 = tpu.memref_slice %arg6[%scan3A, %swap3A_237, %swap3A_238] : memref<2x256x128xf32, #tpu.memory_space<vmem>> -> memref<1x256x128xf32, #tpu.memory_space<vmem>>
      %swap3A_240 = tpu.memref_squeeze %swap3A_239 : memref<1x256x128xf32, #tpu.memory_space<vmem>> -> memref<256x128xf32, #tpu.memory_space<vmem>>
      %swap3A_241 = arith.index_cast %add3A_112 : i32 to index
      %swap3A_242 = arith.constant 96 : index
      %swap3A_243 = tpu.vector_load %swap3A_240[%swap3A_241, %swap3A_242] {strides = array<i32>} : memref<256x128xf32, #tpu.memory_space<vmem>>, vector<16xf32>,
      tpu.vector_store %swap3A_240[%swap3A_241, %swap3A_242], %mul3A_236 {strides = array<i32>} : memref<256x128xf32, #tpu.memory_space<vmem>>, vector<16xf32>,
      %mul3A_244 = arith.mulf %exp3A_174, %div3A : vector<16xf32>
      %swap3A_245 = arith.constant 0 : i32
      %swap3A_246 = arith.constant 0 : i32
      %swap3A_247 = tpu.memref_slice %arg6[%scan3A, %swap3A_245, %swap3A_246] : memref<2x256x128xf32, #tpu.memory_space<vmem>> -> memref<1x256x128xf32, #tpu.memory_space<vmem>>
      %swap3A_248 = tpu.memref_squeeze %swap3A_247 : memref<1x256x128xf32, #tpu.memory_space<vmem>> -> memref<256x128xf32, #tpu.memory_space<vmem>>
      %swap3A_249 = arith.index_cast %add3A_112 : i32 to index
      %swap3A_250 = arith.constant 112 : index
      %swap3A_251 = tpu.vector_load %swap3A_248[%swap3A_249, %swap3A_250] {strides = array<i32>} : memref<256x128xf32, #tpu.memory_space<vmem>>, vector<16xf32>,
      tpu.vector_store %swap3A_248[%swap3A_249, %swap3A_250], %mul3A_244 {strides = array<i32>} : memref<256x128xf32, #tpu.memory_space<vmem>>, vector<16xf32>,
      %scan3A_252 = arith.constant 1 : i32
      %scan3A_253 = arith.addi %scan3A_108, %scan3A_252 : i32
      %mul3A_254 = arith.constant 1 : i32
      %mul3A_255 = arith.muli %scan3A_253, %mul3A_254 : i32
      %add3A_256 = arith.constant 0 : i32
      %add3A_257 = arith.addi %add3A_256, %mul3A_255 : i32
      %get3A_258 = arith.constant 0 : i32
      %get3A_259 = arith.constant 0 : i32
      %get3A_260 = tpu.memref_slice %arg6[%scan3A, %get3A_258, %get3A_259] : memref<2x256x128xf32, #tpu.memory_space<vmem>> -> memref<1x256x128xf32, #tpu.memory_space<vmem>>
      %get3A_261 = tpu.memref_squeeze %get3A_260 : memref<1x256x128xf32, #tpu.memory_space<vmem>> -> memref<256x128xf32, #tpu.memory_space<vmem>>
      %get3A_262 = arith.index_cast %add3A_257 : i32 to index
      %get3A_263 = arith.constant 0 : index
      %get3A_264 = tpu.vector_load %get3A_261[%get3A_262, %get3A_263] {strides = array<i32>} : memref<256x128xf32, #tpu.memory_space<vmem>>, vector<16xf32>,
      %exp3A_265 = math.exp %get3A_264 : vector<16xf32>
      %get3A_266 = arith.constant 0 : i32
      %get3A_267 = arith.constant 0 : i32
      %get3A_268 = tpu.memref_slice %arg6[%scan3A, %get3A_266, %get3A_267] : memref<2x256x128xf32, #tpu.memory_space<vmem>> -> memref<1x256x128xf32, #tpu.memory_space<vmem>>
      %get3A_269 = tpu.memref_squeeze %get3A_268 : memref<1x256x128xf32, #tpu.memory_space<vmem>> -> memref<256x128xf32, #tpu.memory_space<vmem>>
      %get3A_270 = arith.index_cast %add3A_257 : i32 to index
      %get3A_271 = arith.constant 16 : index
      %get3A_272 = tpu.vector_load %get3A_269[%get3A_270, %get3A_271] {strides = array<i32>} : memref<256x128xf32, #tpu.memory_space<vmem>>, vector<16xf32>,
      %exp3A_273 = math.exp %get3A_272 : vector<16xf32>
      %get3A_274 = arith.constant 0 : i32
      %get3A_275 = arith.constant 0 : i32
      %get3A_276 = tpu.memref_slice %arg6[%scan3A, %get3A_274, %get3A_275] : memref<2x256x128xf32, #tpu.memory_space<vmem>> -> memref<1x256x128xf32, #tpu.memory_space<vmem>>
      %get3A_277 = tpu.memref_squeeze %get3A_276 : memref<1x256x128xf32, #tpu.memory_space<vmem>> -> memref<256x128xf32, #tpu.memory_space<vmem>>
      %get3A_278 = arith.index_cast %add3A_257 : i32 to index
      %get3A_279 = arith.constant 32 : index
      %get3A_280 = tpu.vector_load %get3A_277[%get3A_278, %get3A_279] {strides = array<i32>} : memref<256x128xf32, #tpu.memory_space<vmem>>, vector<16xf32>,
      %exp3A_281 = math.exp %get3A_280 : vector<16xf32>
      %get3A_282 = arith.constant 0 : i32
      %get3A_283 = arith.constant 0 : i32
      %get3A_284 = tpu.memref_slice %arg6[%scan3A, %get3A_282, %get3A_283] : memref<2x256x128xf32, #tpu.memory_space<vmem>> -> memref<1x256x128xf32, #tpu.memory_space<vmem>>
      %get3A_285 = tpu.memref_squeeze %get3A_284 : memref<1x256x128xf32, #tpu.memory_space<vmem>> -> memref<256x128xf32, #tpu.memory_space<vmem>>
      %get3A_286 = arith.index_cast %add3A_257 : i32 to index
      %get3A_287 = arith.constant 48 : index
      %get3A_288 = tpu.vector_load %get3A_285[%get3A_286, %get3A_287] {strides = array<i32>} : memref<256x128xf32, #tpu.memory_space<vmem>>, vector<16xf32>,
      %exp3A_289 = math.exp %get3A_288 : vector<16xf32>
      %get3A_290 = arith.constant 0 : i32
      %get3A_291 = arith.constant 0 : i32
      %get3A_292 = tpu.memref_slice %arg6[%scan3A, %get3A_290, %get3A_291] : memref<2x256x128xf32, #tpu.memory_space<vmem>> -> memref<1x256x128xf32, #tpu.memory_space<vmem>>
      %get3A_293 = tpu.memref_squeeze %get3A_292 : memref<1x256x128xf32, #tpu.memory_space<vmem>> -> memref<256x128xf32, #tpu.memory_space<vmem>>
      %get3A_294 = arith.index_cast %add3A_257 : i32 to index
      %get3A_295 = arith.constant 64 : index
      %get3A_296 = tpu.vector_load %get3A_293[%get3A_294, %get3A_295] {strides = array<i32>} : memref<256x128xf32, #tpu.memory_space<vmem>>, vector<16xf32>,
      %exp3A_297 = math.exp %get3A_296 : vector<16xf32>
      %get3A_298 = arith.constant 0 : i32
      %get3A_299 = arith.constant 0 : i32
      %get3A_300 = tpu.memref_slice %arg6[%scan3A, %get3A_298, %get3A_299] : memref<2x256x128xf32, #tpu.memory_space<vmem>> -> memref<1x256x128xf32, #tpu.memory_space<vmem>>
      %get3A_301 = tpu.memref_squeeze %get3A_300 : memref<1x256x128xf32, #tpu.memory_space<vmem>> -> memref<256x128xf32, #tpu.memory_space<vmem>>
      %get3A_302 = arith.index_cast %add3A_257 : i32 to index
      %get3A_303 = arith.constant 80 : index
      %get3A_304 = tpu.vector_load %get3A_301[%get3A_302, %get3A_303] {strides = array<i32>} : memref<256x128xf32, #tpu.memory_space<vmem>>, vector<16xf32>,
      %exp3A_305 = math.exp %get3A_304 : vector<16xf32>
      %get3A_306 = arith.constant 0 : i32
      %get3A_307 = arith.constant 0 : i32
      %get3A_308 = tpu.memref_slice %arg6[%scan3A, %get3A_306, %get3A_307] : memref<2x256x128xf32, #tpu.memory_space<vmem>> -> memref<1x256x128xf32, #tpu.memory_space<vmem>>
      %get3A_309 = tpu.memref_squeeze %get3A_308 : memref<1x256x128xf32, #tpu.memory_space<vmem>> -> memref<256x128xf32, #tpu.memory_space<vmem>>
      %get3A_310 = arith.index_cast %add3A_257 : i32 to index
      %get3A_311 = arith.constant 96 : index
      %get3A_312 = tpu.vector_load %get3A_309[%get3A_310, %get3A_311] {strides = array<i32>} : memref<256x128xf32, #tpu.memory_space<vmem>>, vector<16xf32>,
      %exp3A_313 = math.exp %get3A_312 : vector<16xf32>
      %get3A_314 = arith.constant 0 : i32
      %get3A_315 = arith.constant 0 : i32
      %get3A_316 = tpu.memref_slice %arg6[%scan3A, %get3A_314, %get3A_315] : memref<2x256x128xf32, #tpu.memory_space<vmem>> -> memref<1x256x128xf32, #tpu.memory_space<vmem>>
      %get3A_317 = tpu.memref_squeeze %get3A_316 : memref<1x256x128xf32, #tpu.memory_space<vmem>> -> memref<256x128xf32, #tpu.memory_space<vmem>>
      %get3A_318 = arith.index_cast %add3A_257 : i32 to index
      %get3A_319 = arith.constant 112 : index
      %get3A_320 = tpu.vector_load %get3A_317[%get3A_318, %get3A_319] {strides = array<i32>} : memref<256x128xf32, #tpu.memory_space<vmem>>, vector<16xf32>,
      %exp3A_321 = math.exp %get3A_320 : vector<16xf32>
      %add3A_322 = arith.addf %exp3A_265, %exp3A_273 : vector<16xf32>
      %add3A_323 = arith.addf %add3A_322, %exp3A_281 : vector<16xf32>
      %add3A_324 = arith.addf %add3A_323, %exp3A_289 : vector<16xf32>
      %add3A_325 = arith.addf %add3A_324, %exp3A_297 : vector<16xf32>
      %add3A_326 = arith.addf %add3A_325, %exp3A_305 : vector<16xf32>
      %add3A_327 = arith.addf %add3A_326, %exp3A_313 : vector<16xf32>
      %add3A_328 = arith.addf %add3A_327, %exp3A_321 : vector<16xf32>
      %broadcast_in_dim3A_329 = arith.constant true
      %broadcast_in_dim3A_330 = vector.broadcast %broadcast_in_dim3A_329 : i1 to vector<16xi1>
      %masked_cumsum3A_331 = tpu.scan <sum>, %add3A_328 masked %broadcast_in_dim3A_330 : vector<16xf32>, vector<16xi1> -> vector<16xf32>
      %slice3A_332 = vector.extract_strided_slice %masked_cumsum3A_331 {offsets = [15], sizes = [1], strides = [1]} : vector<16xf32> to vector<1xf32>
      %squeeze3A_333 = vector.extract %slice3A_332[0] : f32 from vector<1xf32>
      %broadcast_in_dim3A_334 = arith.constant 0.000000e+00 : f32
      %broadcast_in_dim3A_335 = vector.broadcast %broadcast_in_dim3A_334 : f32 to vector<16xf32>
      %add3A_336 = vector.broadcast %squeeze3A_333 : f32 to vector<16xf32>
      %add3A_337 = arith.addf %broadcast_in_dim3A_335, %add3A_336 : vector<16xf32>
      %broadcast_in_dim3A_338 = arith.constant 1.000000e+00 : f32
      %broadcast_in_dim3A_339 = vector.broadcast %broadcast_in_dim3A_338 : f32 to vector<16xf32>
      %div3A_340 = arith.divf %broadcast_in_dim3A_339, %add3A_337 : vector<16xf32>
      %mul3A_341 = arith.mulf %exp3A_265, %div3A_340 : vector<16xf32>
      %swap3A_342 = arith.constant 0 : i32
      %swap3A_343 = arith.constant 0 : i32
      %swap3A_344 = tpu.memref_slice %arg6[%scan3A, %swap3A_342, %swap3A_343] : memref<2x256x128xf32, #tpu.memory_space<vmem>> -> memref<1x256x128xf32, #tpu.memory_space<vmem>>
      %swap3A_345 = tpu.memref_squeeze %swap3A_344 : memref<1x256x128xf32, #tpu.memory_space<vmem>> -> memref<256x128xf32, #tpu.memory_space<vmem>>
      %swap3A_346 = arith.index_cast %add3A_257 : i32 to index
      %swap3A_347 = arith.constant 0 : index
      %swap3A_348 = tpu.vector_load %swap3A_345[%swap3A_346, %swap3A_347] {strides = array<i32>} : memref<256x128xf32, #tpu.memory_space<vmem>>, vector<16xf32>,
      tpu.vector_store %swap3A_345[%swap3A_346, %swap3A_347], %mul3A_341 {strides = array<i32>} : memref<256x128xf32, #tpu.memory_space<vmem>>, vector<16xf32>,
      %mul3A_349 = arith.mulf %exp3A_273, %div3A_340 : vector<16xf32>
      %swap3A_350 = arith.constant 0 : i32
      %swap3A_351 = arith.constant 0 : i32
      %swap3A_352 = tpu.memref_slice %arg6[%scan3A, %swap3A_350, %swap3A_351] : memref<2x256x128xf32, #tpu.memory_space<vmem>> -> memref<1x256x128xf32, #tpu.memory_space<vmem>>
      %swap3A_353 = tpu.memref_squeeze %swap3A_352 : memref<1x256x128xf32, #tpu.memory_space<vmem>> -> memref<256x128xf32, #tpu.memory_space<vmem>>
      %swap3A_354 = arith.index_cast %add3A_257 : i32 to index
      %swap3A_355 = arith.constant 16 : index
      %swap3A_356 = tpu.vector_load %swap3A_353[%swap3A_354, %swap3A_355] {strides = array<i32>} : memref<256x128xf32, #tpu.memory_space<vmem>>, vector<16xf32>,
      tpu.vector_store %swap3A_353[%swap3A_354, %swap3A_355], %mul3A_349 {strides = array<i32>} : memref<256x128xf32, #tpu.memory_space<vmem>>, vector<16xf32>,
      %mul3A_357 = arith.mulf %exp3A_281, %div3A_340 : vector<16xf32>
      %swap3A_358 = arith.constant 0 : i32
      %swap3A_359 = arith.constant 0 : i32
      %swap3A_360 = tpu.memref_slice %arg6[%scan3A, %swap3A_358, %swap3A_359] : memref<2x256x128xf32, #tpu.memory_space<vmem>> -> memref<1x256x128xf32, #tpu.memory_space<vmem>>
      %swap3A_361 = tpu.memref_squeeze %swap3A_360 : memref<1x256x128xf32, #tpu.memory_space<vmem>> -> memref<256x128xf32, #tpu.memory_space<vmem>>
      %swap3A_362 = arith.index_cast %add3A_257 : i32 to index
      %swap3A_363 = arith.constant 32 : index
      %swap3A_364 = tpu.vector_load %swap3A_361[%swap3A_362, %swap3A_363] {strides = array<i32>} : memref<256x128xf32, #tpu.memory_space<vmem>>, vector<16xf32>,
      tpu.vector_store %swap3A_361[%swap3A_362, %swap3A_363], %mul3A_357 {strides = array<i32>} : memref<256x128xf32, #tpu.memory_space<vmem>>, vector<16xf32>,
      %mul3A_365 = arith.mulf %exp3A_289, %div3A_340 : vector<16xf32>
      %swap3A_366 = arith.constant 0 : i32
      %swap3A_367 = arith.constant 0 : i32
      %swap3A_368 = tpu.memref_slice %arg6[%scan3A, %swap3A_366, %swap3A_367] : memref<2x256x128xf32, #tpu.memory_space<vmem>> -> memref<1x256x128xf32, #tpu.memory_space<vmem>>
      %swap3A_369 = tpu.memref_squeeze %swap3A_368 : memref<1x256x128xf32, #tpu.memory_space<vmem>> -> memref<256x128xf32, #tpu.memory_space<vmem>>
      %swap3A_370 = arith.index_cast %add3A_257 : i32 to index
      %swap3A_371 = arith.constant 48 : index
      %swap3A_372 = tpu.vector_load %swap3A_369[%swap3A_370, %swap3A_371] {strides = array<i32>} : memref<256x128xf32, #tpu.memory_space<vmem>>, vector<16xf32>,
      tpu.vector_store %swap3A_369[%swap3A_370, %swap3A_371], %mul3A_365 {strides = array<i32>} : memref<256x128xf32, #tpu.memory_space<vmem>>, vector<16xf32>,
      %mul3A_373 = arith.mulf %exp3A_297, %div3A_340 : vector<16xf32>
      %swap3A_374 = arith.constant 0 : i32
      %swap3A_375 = arith.constant 0 : i32
      %swap3A_376 = tpu.memref_slice %arg6[%scan3A, %swap3A_374, %swap3A_375] : memref<2x256x128xf32, #tpu.memory_space<vmem>> -> memref<1x256x128xf32, #tpu.memory_space<vmem>>
      %swap3A_377 = tpu.memref_squeeze %swap3A_376 : memref<1x256x128xf32, #tpu.memory_space<vmem>> -> memref<256x128xf32, #tpu.memory_space<vmem>>
      %swap3A_378 = arith.index_cast %add3A_257 : i32 to index
      %swap3A_379 = arith.constant 64 : index
      %swap3A_380 = tpu.vector_load %swap3A_377[%swap3A_378, %swap3A_379] {strides = array<i32>} : memref<256x128xf32, #tpu.memory_space<vmem>>, vector<16xf32>,
      tpu.vector_store %swap3A_377[%swap3A_378, %swap3A_379], %mul3A_373 {strides = array<i32>} : memref<256x128xf32, #tpu.memory_space<vmem>>, vector<16xf32>,
      %mul3A_381 = arith.mulf %exp3A_305, %div3A_340 : vector<16xf32>
      %swap3A_382 = arith.constant 0 : i32
      %swap3A_383 = arith.constant 0 : i32
      %swap3A_384 = tpu.memref_slice %arg6[%scan3A, %swap3A_382, %swap3A_383] : memref<2x256x128xf32, #tpu.memory_space<vmem>> -> memref<1x256x128xf32, #tpu.memory_space<vmem>>
      %swap3A_385 = tpu.memref_squeeze %swap3A_384 : memref<1x256x128xf32, #tpu.memory_space<vmem>> -> memref<256x128xf32, #tpu.memory_space<vmem>>
      %swap3A_386 = arith.index_cast %add3A_257 : i32 to index
      %swap3A_387 = arith.constant 80 : index
      %swap3A_388 = tpu.vector_load %swap3A_385[%swap3A_386, %swap3A_387] {strides = array<i32>} : memref<256x128xf32, #tpu.memory_space<vmem>>, vector<16xf32>,
      tpu.vector_store %swap3A_385[%swap3A_386, %swap3A_387], %mul3A_381 {strides = array<i32>} : memref<256x128xf32, #tpu.memory_space<vmem>>, vector<16xf32>,
      %mul3A_389 = arith.mulf %exp3A_313, %div3A_340 : vector<16xf32>
      %swap3A_390 = arith.constant 0 : i32
      %swap3A_391 = arith.constant 0 : i32
      %swap3A_392 = tpu.memref_slice %arg6[%scan3A, %swap3A_390, %swap3A_391] : memref<2x256x128xf32, #tpu.memory_space<vmem>> -> memref<1x256x128xf32, #tpu.memory_space<vmem>>
      %swap3A_393 = tpu.memref_squeeze %swap3A_392 : memref<1x256x128xf32, #tpu.memory_space<vmem>> -> memref<256x128xf32, #tpu.memory_space<vmem>>
      %swap3A_394 = arith.index_cast %add3A_257 : i32 to index
      %swap3A_395 = arith.constant 96 : index
      %swap3A_396 = tpu.vector_load %swap3A_393[%swap3A_394, %swap3A_395] {strides = array<i32>} : memref<256x128xf32, #tpu.memory_space<vmem>>, vector<16xf32>,
      tpu.vector_store %swap3A_393[%swap3A_394, %swap3A_395], %mul3A_389 {strides = array<i32>} : memref<256x128xf32, #tpu.memory_space<vmem>>, vector<16xf32>,
      %mul3A_397 = arith.mulf %exp3A_321, %div3A_340 : vector<16xf32>
      %swap3A_398 = arith.constant 0 : i32
      %swap3A_399 = arith.constant 0 : i32
      %swap3A_400 = tpu.memref_slice %arg6[%scan3A, %swap3A_398, %swap3A_399] : memref<2x256x128xf32, #tpu.memory_space<vmem>> -> memref<1x256x128xf32, #tpu.memory_space<vmem>>
      %swap3A_401 = tpu.memref_squeeze %swap3A_400 : memref<1x256x128xf32, #tpu.memory_space<vmem>> -> memref<256x128xf32, #tpu.memory_space<vmem>>
      %swap3A_402 = arith.index_cast %add3A_257 : i32 to index
      %swap3A_403 = arith.constant 112 : index
      %swap3A_404 = tpu.vector_load %swap3A_401[%swap3A_402, %swap3A_403] {strides = array<i32>} : memref<256x128xf32, #tpu.memory_space<vmem>>, vector<16xf32>,
      tpu.vector_store %swap3A_401[%swap3A_402, %swap3A_403], %mul3A_397 {strides = array<i32>} : memref<256x128xf32, #tpu.memory_space<vmem>>, vector<16xf32>,
      %scan3A_405 = arith.constant 2 : i32
      %scan3A_406 = arith.addi %scan3A_108, %scan3A_405 : i32
      %mul3A_407 = arith.constant 1 : i32
      %mul3A_408 = arith.muli %scan3A_406, %mul3A_407 : i32
      %add3A_409 = arith.constant 0 : i32
      %add3A_410 = arith.addi %add3A_409, %mul3A_408 : i32
      %get3A_411 = arith.constant 0 : i32
      %get3A_412 = arith.constant 0 : i32
      %get3A_413 = tpu.memref_slice %arg6[%scan3A, %get3A_411, %get3A_412] : memref<2x256x128xf32, #tpu.memory_space<vmem>> -> memref<1x256x128xf32, #tpu.memory_space<vmem>>
      %get3A_414 = tpu.memref_squeeze %get3A_413 : memref<1x256x128xf32, #tpu.memory_space<vmem>> -> memref<256x128xf32, #tpu.memory_space<vmem>>
      %get3A_415 = arith.index_cast %add3A_410 : i32 to index
      %get3A_416 = arith.constant 0 : index
      %get3A_417 = tpu.vector_load %get3A_414[%get3A_415, %get3A_416] {strides = array<i32>} : memref<256x128xf32, #tpu.memory_space<vmem>>, vector<16xf32>,
      %exp3A_418 = math.exp %get3A_417 : vector<16xf32>
      %get3A_419 = arith.constant 0 : i32
      %get3A_420 = arith.constant 0 : i32
      %get3A_421 = tpu.memref_slice %arg6[%scan3A, %get3A_419, %get3A_420] : memref<2x256x128xf32, #tpu.memory_space<vmem>> -> memref<1x256x128xf32, #tpu.memory_space<vmem>>
      %get3A_422 = tpu.memref_squeeze %get3A_421 : memref<1x256x128xf32, #tpu.memory_space<vmem>> -> memref<256x128xf32, #tpu.memory_space<vmem>>
      %get3A_423 = arith.index_cast %add3A_410 : i32 to index
      %get3A_424 = arith.constant 16 : index
      %get3A_425 = tpu.vector_load %get3A_422[%get3A_423, %get3A_424] {strides = array<i32>} : memref<256x128xf32, #tpu.memory_space<vmem>>, vector<16xf32>,
      %exp3A_426 = math.exp %get3A_425 : vector<16xf32>
      %get3A_427 = arith.constant 0 : i32
      %get3A_428 = arith.constant 0 : i32
      %get3A_429 = tpu.memref_slice %arg6[%scan3A, %get3A_427, %get3A_428] : memref<2x256x128xf32, #tpu.memory_space<vmem>> -> memref<1x256x128xf32, #tpu.memory_space<vmem>>
      %get3A_430 = tpu.memref_squeeze %get3A_429 : memref<1x256x128xf32, #tpu.memory_space<vmem>> -> memref<256x128xf32, #tpu.memory_space<vmem>>
      %get3A_431 = arith.index_cast %add3A_410 : i32 to index
      %get3A_432 = arith.constant 32 : index
      %get3A_433 = tpu.vector_load %get3A_430[%get3A_431, %get3A_432] {strides = array<i32>} : memref<256x128xf32, #tpu.memory_space<vmem>>, vector<16xf32>,
      %exp3A_434 = math.exp %get3A_433 : vector<16xf32>
      %get3A_435 = arith.constant 0 : i32
      %get3A_436 = arith.constant 0 : i32
      %get3A_437 = tpu.memref_slice %arg6[%scan3A, %get3A_435, %get3A_436] : memref<2x256x128xf32, #tpu.memory_space<vmem>> -> memref<1x256x128xf32, #tpu.memory_space<vmem>>
      %get3A_438 = tpu.memref_squeeze %get3A_437 : memref<1x256x128xf32, #tpu.memory_space<vmem>> -> memref<256x128xf32, #tpu.memory_space<vmem>>
      %get3A_439 = arith.index_cast %add3A_410 : i32 to index
      %get3A_440 = arith.constant 48 : index
      %get3A_441 = tpu.vector_load %get3A_438[%get3A_439, %get3A_440] {strides = array<i32>} : memref<256x128xf32, #tpu.memory_space<vmem>>, vector<16xf32>,
      %exp3A_442 = math.exp %get3A_441 : vector<16xf32>
      %get3A_443 = arith.constant 0 : i32
      %get3A_444 = arith.constant 0 : i32
      %get3A_445 = tpu.memref_slice %arg6[%scan3A, %get3A_443, %get3A_444] : memref<2x256x128xf32, #tpu.memory_space<vmem>> -> memref<1x256x128xf32, #tpu.memory_space<vmem>>
      %get3A_446 = tpu.memref_squeeze %get3A_445 : memref<1x256x128xf32, #tpu.memory_space<vmem>> -> memref<256x128xf32, #tpu.memory_space<vmem>>
      %get3A_447 = arith.index_cast %add3A_410 : i32 to index
      %get3A_448 = arith.constant 64 : index
      %get3A_449 = tpu.vector_load %get3A_446[%get3A_447, %get3A_448] {strides = array<i32>} : memref<256x128xf32, #tpu.memory_space<vmem>>, vector<16xf32>,
      %exp3A_450 = math.exp %get3A_449 : vector<16xf32>
      %get3A_451 = arith.constant 0 : i32
      %get3A_452 = arith.constant 0 : i32
      %get3A_453 = tpu.memref_slice %arg6[%scan3A, %get3A_451, %get3A_452] : memref<2x256x128xf32, #tpu.memory_space<vmem>> -> memref<1x256x128xf32, #tpu.memory_space<vmem>>
      %get3A_454 = tpu.memref_squeeze %get3A_453 : memref<1x256x128xf32, #tpu.memory_space<vmem>> -> memref<256x128xf32, #tpu.memory_space<vmem>>
      %get3A_455 = arith.index_cast %add3A_410 : i32 to index
      %get3A_456 = arith.constant 80 : index
      %get3A_457 = tpu.vector_load %get3A_454[%get3A_455, %get3A_456] {strides = array<i32>} : memref<256x128xf32, #tpu.memory_space<vmem>>, vector<16xf32>,
      %exp3A_458 = math.exp %get3A_457 : vector<16xf32>
      %get3A_459 = arith.constant 0 : i32
      %get3A_460 = arith.constant 0 : i32
      %get3A_461 = tpu.memref_slice %arg6[%scan3A, %get3A_459, %get3A_460] : memref<2x256x128xf32, #tpu.memory_space<vmem>> -> memref<1x256x128xf32, #tpu.memory_space<vmem>>
      %get3A_462 = tpu.memref_squeeze %get3A_461 : memref<1x256x128xf32, #tpu.memory_space<vmem>> -> memref<256x128xf32, #tpu.memory_space<vmem>>
      %get3A_463 = arith.index_cast %add3A_410 : i32 to index
      %get3A_464 = arith.constant 96 : index
      %get3A_465 = tpu.vector_load %get3A_462[%get3A_463, %get3A_464] {strides = array<i32>} : memref<256x128xf32, #tpu.memory_space<vmem>>, vector<16xf32>,
      %exp3A_466 = math.exp %get3A_465 : vector<16xf32>
      %get3A_467 = arith.constant 0 : i32
      %get3A_468 = arith.constant 0 : i32
      %get3A_469 = tpu.memref_slice %arg6[%scan3A, %get3A_467, %get3A_468] : memref<2x256x128xf32, #tpu.memory_space<vmem>> -> memref<1x256x128xf32, #tpu.memory_space<vmem>>
      %get3A_470 = tpu.memref_squeeze %get3A_469 : memref<1x256x128xf32, #tpu.memory_space<vmem>> -> memref<256x128xf32, #tpu.memory_space<vmem>>
      %get3A_471 = arith.index_cast %add3A_410 : i32 to index
      %get3A_472 = arith.constant 112 : index
      %get3A_473 = tpu.vector_load %get3A_470[%get3A_471, %get3A_472] {strides = array<i32>} : memref<256x128xf32, #tpu.memory_space<vmem>>, vector<16xf32>,
      %exp3A_474 = math.exp %get3A_473 : vector<16xf32>
      %add3A_475 = arith.addf %exp3A_418, %exp3A_426 : vector<16xf32>
      %add3A_476 = arith.addf %add3A_475, %exp3A_434 : vector<16xf32>
      %add3A_477 = arith.addf %add3A_476, %exp3A_442 : vector<16xf32>
      %add3A_478 = arith.addf %add3A_477, %exp3A_450 : vector<16xf32>
      %add3A_479 = arith.addf %add3A_478, %exp3A_458 : vector<16xf32>
      %add3A_480 = arith.addf %add3A_479, %exp3A_466 : vector<16xf32>
      %add3A_481 = arith.addf %add3A_480, %exp3A_474 : vector<16xf32>
      %broadcast_in_dim3A_482 = arith.constant true
      %broadcast_in_dim3A_483 = vector.broadcast %broadcast_in_dim3A_482 : i1 to vector<16xi1>
      %masked_cumsum3A_484 = tpu.scan <sum>, %add3A_481 masked %broadcast_in_dim3A_483 : vector<16xf32>, vector<16xi1> -> vector<16xf32>
      %slice3A_485 = vector.extract_strided_slice %masked_cumsum3A_484 {offsets = [15], sizes = [1], strides = [1]} : vector<16xf32> to vector<1xf32>
      %squeeze3A_486 = vector.extract %slice3A_485[0] : f32 from vector<1xf32>
      %broadcast_in_dim3A_487 = arith.constant 0.000000e+00 : f32
      %broadcast_in_dim3A_488 = vector.broadcast %broadcast_in_dim3A_487 : f32 to vector<16xf32>
      %add3A_489 = vector.broadcast %squeeze3A_486 : f32 to vector<16xf32>
      %add3A_490 = arith.addf %broadcast_in_dim3A_488, %add3A_489 : vector<16xf32>
      %broadcast_in_dim3A_491 = arith.constant 1.000000e+00 : f32
      %broadcast_in_dim3A_492 = vector.broadcast %broadcast_in_dim3A_491 : f32 to vector<16xf32>
      %div3A_493 = arith.divf %broadcast_in_dim3A_492, %add3A_490 : vector<16xf32>
      %mul3A_494 = arith.mulf %exp3A_418, %div3A_493 : vector<16xf32>
      %swap3A_495 = arith.constant 0 : i32
      %swap3A_496 = arith.constant 0 : i32
      %swap3A_497 = tpu.memref_slice %arg6[%scan3A, %swap3A_495, %swap3A_496] : memref<2x256x128xf32, #tpu.memory_space<vmem>> -> memref<1x256x128xf32, #tpu.memory_space<vmem>>
      %swap3A_498 = tpu.memref_squeeze %swap3A_497 : memref<1x256x128xf32, #tpu.memory_space<vmem>> -> memref<256x128xf32, #tpu.memory_space<vmem>>
      %swap3A_499 = arith.index_cast %add3A_410 : i32 to index
      %swap3A_500 = arith.constant 0 : index
      %swap3A_501 = tpu.vector_load %swap3A_498[%swap3A_499, %swap3A_500] {strides = array<i32>} : memref<256x128xf32, #tpu.memory_space<vmem>>, vector<16xf32>,
      tpu.vector_store %swap3A_498[%swap3A_499, %swap3A_500], %mul3A_494 {strides = array<i32>} : memref<256x128xf32, #tpu.memory_space<vmem>>, vector<16xf32>,
      %mul3A_502 = arith.mulf %exp3A_426, %div3A_493 : vector<16xf32>
      %swap3A_503 = arith.constant 0 : i32
      %swap3A_504 = arith.constant 0 : i32
      %swap3A_505 = tpu.memref_slice %arg6[%scan3A, %swap3A_503, %swap3A_504] : memref<2x256x128xf32, #tpu.memory_space<vmem>> -> memref<1x256x128xf32, #tpu.memory_space<vmem>>
      %swap3A_506 = tpu.memref_squeeze %swap3A_505 : memref<1x256x128xf32, #tpu.memory_space<vmem>> -> memref<256x128xf32, #tpu.memory_space<vmem>>
      %swap3A_507 = arith.index_cast %add3A_410 : i32 to index
      %swap3A_508 = arith.constant 16 : index
      %swap3A_509 = tpu.vector_load %swap3A_506[%swap3A_507, %swap3A_508] {strides = array<i32>} : memref<256x128xf32, #tpu.memory_space<vmem>>, vector<16xf32>,
      tpu.vector_store %swap3A_506[%swap3A_507, %swap3A_508], %mul3A_502 {strides = array<i32>} : memref<256x128xf32, #tpu.memory_space<vmem>>, vector<16xf32>,
      %mul3A_510 = arith.mulf %exp3A_434, %div3A_493 : vector<16xf32>
      %swap3A_511 = arith.constant 0 : i32
      %swap3A_512 = arith.constant 0 : i32
      %swap3A_513 = tpu.memref_slice %arg6[%scan3A, %swap3A_511, %swap3A_512] : memref<2x256x128xf32, #tpu.memory_space<vmem>> -> memref<1x256x128xf32, #tpu.memory_space<vmem>>
      %swap3A_514 = tpu.memref_squeeze %swap3A_513 : memref<1x256x128xf32, #tpu.memory_space<vmem>> -> memref<256x128xf32, #tpu.memory_space<vmem>>
      %swap3A_515 = arith.index_cast %add3A_410 : i32 to index
      %swap3A_516 = arith.constant 32 : index
      %swap3A_517 = tpu.vector_load %swap3A_514[%swap3A_515, %swap3A_516] {strides = array<i32>} : memref<256x128xf32, #tpu.memory_space<vmem>>, vector<16xf32>,
      tpu.vector_store %swap3A_514[%swap3A_515, %swap3A_516], %mul3A_510 {strides = array<i32>} : memref<256x128xf32, #tpu.memory_space<vmem>>, vector<16xf32>,
      %mul3A_518 = arith.mulf %exp3A_442, %div3A_493 : vector<16xf32>
      %swap3A_519 = arith.constant 0 : i32
      %swap3A_520 = arith.constant 0 : i32
      %swap3A_521 = tpu.memref_slice %arg6[%scan3A, %swap3A_519, %swap3A_520] : memref<2x256x128xf32, #tpu.memory_space<vmem>> -> memref<1x256x128xf32, #tpu.memory_space<vmem>>
      %swap3A_522 = tpu.memref_squeeze %swap3A_521 : memref<1x256x128xf32, #tpu.memory_space<vmem>> -> memref<256x128xf32, #tpu.memory_space<vmem>>
      %swap3A_523 = arith.index_cast %add3A_410 : i32 to index
      %swap3A_524 = arith.constant 48 : index
      %swap3A_525 = tpu.vector_load %swap3A_522[%swap3A_523, %swap3A_524] {strides = array<i32>} : memref<256x128xf32, #tpu.memory_space<vmem>>, vector<16xf32>,
      tpu.vector_store %swap3A_522[%swap3A_523, %swap3A_524], %mul3A_518 {strides = array<i32>} : memref<256x128xf32, #tpu.memory_space<vmem>>, vector<16xf32>,
      %mul3A_526 = arith.mulf %exp3A_450, %div3A_493 : vector<16xf32>
      %swap3A_527 = arith.constant 0 : i32
      %swap3A_528 = arith.constant 0 : i32
      %swap3A_529 = tpu.memref_slice %arg6[%scan3A, %swap3A_527, %swap3A_528] : memref<2x256x128xf32, #tpu.memory_space<vmem>> -> memref<1x256x128xf32, #tpu.memory_space<vmem>>
      %swap3A_530 = tpu.memref_squeeze %swap3A_529 : memref<1x256x128xf32, #tpu.memory_space<vmem>> -> memref<256x128xf32, #tpu.memory_space<vmem>>
      %swap3A_531 = arith.index_cast %add3A_410 : i32 to index
      %swap3A_532 = arith.constant 64 : index
      %swap3A_533 = tpu.vector_load %swap3A_530[%swap3A_531, %swap3A_532] {strides = array<i32>} : memref<256x128xf32, #tpu.memory_space<vmem>>, vector<16xf32>,
      tpu.vector_store %swap3A_530[%swap3A_531, %swap3A_532], %mul3A_526 {strides = array<i32>} : memref<256x128xf32, #tpu.memory_space<vmem>>, vector<16xf32>,
      %mul3A_534 = arith.mulf %exp3A_458, %div3A_493 : vector<16xf32>
      %swap3A_535 = arith.constant 0 : i32
      %swap3A_536 = arith.constant 0 : i32
      %swap3A_537 = tpu.memref_slice %arg6[%scan3A, %swap3A_535, %swap3A_536] : memref<2x256x128xf32, #tpu.memory_space<vmem>> -> memref<1x256x128xf32, #tpu.memory_space<vmem>>
      %swap3A_538 = tpu.memref_squeeze %swap3A_537 : memref<1x256x128xf32, #tpu.memory_space<vmem>> -> memref<256x128xf32, #tpu.memory_space<vmem>>
      %swap3A_539 = arith.index_cast %add3A_410 : i32 to index
      %swap3A_540 = arith.constant 80 : index
      %swap3A_541 = tpu.vector_load %swap3A_538[%swap3A_539, %swap3A_540] {strides = array<i32>} : memref<256x128xf32, #tpu.memory_space<vmem>>, vector<16xf32>,
      tpu.vector_store %swap3A_538[%swap3A_539, %swap3A_540], %mul3A_534 {strides = array<i32>} : memref<256x128xf32, #tpu.memory_space<vmem>>, vector<16xf32>,
      %mul3A_542 = arith.mulf %exp3A_466, %div3A_493 : vector<16xf32>
      %swap3A_543 = arith.constant 0 : i32
      %swap3A_544 = arith.constant 0 : i32
      %swap3A_545 = tpu.memref_slice %arg6[%scan3A, %swap3A_543, %swap3A_544] : memref<2x256x128xf32, #tpu.memory_space<vmem>> -> memref<1x256x128xf32, #tpu.memory_space<vmem>>
      %swap3A_546 = tpu.memref_squeeze %swap3A_545 : memref<1x256x128xf32, #tpu.memory_space<vmem>> -> memref<256x128xf32, #tpu.memory_space<vmem>>
      %swap3A_547 = arith.index_cast %add3A_410 : i32 to index
      %swap3A_548 = arith.constant 96 : index
      %swap3A_549 = tpu.vector_load %swap3A_546[%swap3A_547, %swap3A_548] {strides = array<i32>} : memref<256x128xf32, #tpu.memory_space<vmem>>, vector<16xf32>,
      tpu.vector_store %swap3A_546[%swap3A_547, %swap3A_548], %mul3A_542 {strides = array<i32>} : memref<256x128xf32, #tpu.memory_space<vmem>>, vector<16xf32>,
      %mul3A_550 = arith.mulf %exp3A_474, %div3A_493 : vector<16xf32>
      %swap3A_551 = arith.constant 0 : i32
      %swap3A_552 = arith.constant 0 : i32
      %swap3A_553 = tpu.memref_slice %arg6[%scan3A, %swap3A_551, %swap3A_552] : memref<2x256x128xf32, #tpu.memory_space<vmem>> -> memref<1x256x128xf32, #tpu.memory_space<vmem>>
      %swap3A_554 = tpu.memref_squeeze %swap3A_553 : memref<1x256x128xf32, #tpu.memory_space<vmem>> -> memref<256x128xf32, #tpu.memory_space<vmem>>
      %swap3A_555 = arith.index_cast %add3A_410 : i32 to index
      %swap3A_556 = arith.constant 112 : index
      %swap3A_557 = tpu.vector_load %swap3A_554[%swap3A_555, %swap3A_556] {strides = array<i32>} : memref<256x128xf32, #tpu.memory_space<vmem>>, vector<16xf32>,
      tpu.vector_store %swap3A_554[%swap3A_555, %swap3A_556], %mul3A_550 {strides = array<i32>} : memref<256x128xf32, #tpu.memory_space<vmem>>, vector<16xf32>,
      %scan3A_558 = arith.constant 3 : i32
      %scan3A_559 = arith.addi %scan3A_108, %scan3A_558 : i32
      %mul3A_560 = arith.constant 1 : i32
      %mul3A_561 = arith.muli %scan3A_559, %mul3A_560 : i32
      %add3A_562 = arith.constant 0 : i32
      %add3A_563 = arith.addi %add3A_562, %mul3A_561 : i32
      %get3A_564 = arith.constant 0 : i32
      %get3A_565 = arith.constant 0 : i32
      %get3A_566 = tpu.memref_slice %arg6[%scan3A, %get3A_564, %get3A_565] : memref<2x256x128xf32, #tpu.memory_space<vmem>> -> memref<1x256x128xf32, #tpu.memory_space<vmem>>
      %get3A_567 = tpu.memref_squeeze %get3A_566 : memref<1x256x128xf32, #tpu.memory_space<vmem>> -> memref<256x128xf32, #tpu.memory_space<vmem>>
      %get3A_568 = arith.index_cast %add3A_563 : i32 to index
      %get3A_569 = arith.constant 0 : index
      %get3A_570 = tpu.vector_load %get3A_567[%get3A_568, %get3A_569] {strides = array<i32>} : memref<256x128xf32, #tpu.memory_space<vmem>>, vector<16xf32>,
      %exp3A_571 = math.exp %get3A_570 : vector<16xf32>
      %get3A_572 = arith.constant 0 : i32
      %get3A_573 = arith.constant 0 : i32
      %get3A_574 = tpu.memref_slice %arg6[%scan3A, %get3A_572, %get3A_573] : memref<2x256x128xf32, #tpu.memory_space<vmem>> -> memref<1x256x128xf32, #tpu.memory_space<vmem>>
      %get3A_575 = tpu.memref_squeeze %get3A_574 : memref<1x256x128xf32, #tpu.memory_space<vmem>> -> memref<256x128xf32, #tpu.memory_space<vmem>>
      %get3A_576 = arith.index_cast %add3A_563 : i32 to index
      %get3A_577 = arith.constant 16 : index
      %get3A_578 = tpu.vector_load %get3A_575[%get3A_576, %get3A_577] {strides = array<i32>} : memref<256x128xf32, #tpu.memory_space<vmem>>, vector<16xf32>,
      %exp3A_579 = math.exp %get3A_578 : vector<16xf32>
      %get3A_580 = arith.constant 0 : i32
      %get3A_581 = arith.constant 0 : i32
      %get3A_582 = tpu.memref_slice %arg6[%scan3A, %get3A_580, %get3A_581] : memref<2x256x128xf32, #tpu.memory_space<vmem>> -> memref<1x256x128xf32, #tpu.memory_space<vmem>>
      %get3A_583 = tpu.memref_squeeze %get3A_582 : memref<1x256x128xf32, #tpu.memory_space<vmem>> -> memref<256x128xf32, #tpu.memory_space<vmem>>
      %get3A_584 = arith.index_cast %add3A_563 : i32 to index
      %get3A_585 = arith.constant 32 : index
      %get3A_586 = tpu.vector_load %get3A_583[%get3A_584, %get3A_585] {strides = array<i32>} : memref<256x128xf32, #tpu.memory_space<vmem>>, vector<16xf32>,
      %exp3A_587 = math.exp %get3A_586 : vector<16xf32>
      %get3A_588 = arith.constant 0 : i32
      %get3A_589 = arith.constant 0 : i32
      %get3A_590 = tpu.memref_slice %arg6[%scan3A, %get3A_588, %get3A_589] : memref<2x256x128xf32, #tpu.memory_space<vmem>> -> memref<1x256x128xf32, #tpu.memory_space<vmem>>
      %get3A_591 = tpu.memref_squeeze %get3A_590 : memref<1x256x128xf32, #tpu.memory_space<vmem>> -> memref<256x128xf32, #tpu.memory_space<vmem>>
      %get3A_592 = arith.index_cast %add3A_563 : i32 to index
      %get3A_593 = arith.constant 48 : index
      %get3A_594 = tpu.vector_load %get3A_591[%get3A_592, %get3A_593] {strides = array<i32>} : memref<256x128xf32, #tpu.memory_space<vmem>>, vector<16xf32>,
      %exp3A_595 = math.exp %get3A_594 : vector<16xf32>
      %get3A_596 = arith.constant 0 : i32
      %get3A_597 = arith.constant 0 : i32
      %get3A_598 = tpu.memref_slice %arg6[%scan3A, %get3A_596, %get3A_597] : memref<2x256x128xf32, #tpu.memory_space<vmem>> -> memref<1x256x128xf32, #tpu.memory_space<vmem>>
      %get3A_599 = tpu.memref_squeeze %get3A_598 : memref<1x256x128xf32, #tpu.memory_space<vmem>> -> memref<256x128xf32, #tpu.memory_space<vmem>>
      %get3A_600 = arith.index_cast %add3A_563 : i32 to index
      %get3A_601 = arith.constant 64 : index
      %get3A_602 = tpu.vector_load %get3A_599[%get3A_600, %get3A_601] {strides = array<i32>} : memref<256x128xf32, #tpu.memory_space<vmem>>, vector<16xf32>,
      %exp3A_603 = math.exp %get3A_602 : vector<16xf32>
      %get3A_604 = arith.constant 0 : i32
      %get3A_605 = arith.constant 0 : i32
      %get3A_606 = tpu.memref_slice %arg6[%scan3A, %get3A_604, %get3A_605] : memref<2x256x128xf32, #tpu.memory_space<vmem>> -> memref<1x256x128xf32, #tpu.memory_space<vmem>>
      %get3A_607 = tpu.memref_squeeze %get3A_606 : memref<1x256x128xf32, #tpu.memory_space<vmem>> -> memref<256x128xf32, #tpu.memory_space<vmem>>
      %get3A_608 = arith.index_cast %add3A_563 : i32 to index
      %get3A_609 = arith.constant 80 : index
      %get3A_610 = tpu.vector_load %get3A_607[%get3A_608, %get3A_609] {strides = array<i32>} : memref<256x128xf32, #tpu.memory_space<vmem>>, vector<16xf32>,
      %exp3A_611 = math.exp %get3A_610 : vector<16xf32>
      %get3A_612 = arith.constant 0 : i32
      %get3A_613 = arith.constant 0 : i32
      %get3A_614 = tpu.memref_slice %arg6[%scan3A, %get3A_612, %get3A_613] : memref<2x256x128xf32, #tpu.memory_space<vmem>> -> memref<1x256x128xf32, #tpu.memory_space<vmem>>
      %get3A_615 = tpu.memref_squeeze %get3A_614 : memref<1x256x128xf32, #tpu.memory_space<vmem>> -> memref<256x128xf32, #tpu.memory_space<vmem>>
      %get3A_616 = arith.index_cast %add3A_563 : i32 to index
      %get3A_617 = arith.constant 96 : index
      %get3A_618 = tpu.vector_load %get3A_615[%get3A_616, %get3A_617] {strides = array<i32>} : memref<256x128xf32, #tpu.memory_space<vmem>>, vector<16xf32>,
      %exp3A_619 = math.exp %get3A_618 : vector<16xf32>
      %get3A_620 = arith.constant 0 : i32
      %get3A_621 = arith.constant 0 : i32
      %get3A_622 = tpu.memref_slice %arg6[%scan3A, %get3A_620, %get3A_621] : memref<2x256x128xf32, #tpu.memory_space<vmem>> -> memref<1x256x128xf32, #tpu.memory_space<vmem>>
      %get3A_623 = tpu.memref_squeeze %get3A_622 : memref<1x256x128xf32, #tpu.memory_space<vmem>> -> memref<256x128xf32, #tpu.memory_space<vmem>>
      %get3A_624 = arith.index_cast %add3A_563 : i32 to index
      %get3A_625 = arith.constant 112 : index
      %get3A_626 = tpu.vector_load %get3A_623[%get3A_624, %get3A_625] {strides = array<i32>} : memref<256x128xf32, #tpu.memory_space<vmem>>, vector<16xf32>,
      %exp3A_627 = math.exp %get3A_626 : vector<16xf32>
      %add3A_628 = arith.addf %exp3A_571, %exp3A_579 : vector<16xf32>
      %add3A_629 = arith.addf %add3A_628, %exp3A_587 : vector<16xf32>
      %add3A_630 = arith.addf %add3A_629, %exp3A_595 : vector<16xf32>
      %add3A_631 = arith.addf %add3A_630, %exp3A_603 : vector<16xf32>
      %add3A_632 = arith.addf %add3A_631, %exp3A_611 : vector<16xf32>
      %add3A_633 = arith.addf %add3A_632, %exp3A_619 : vector<16xf32>
      %add3A_634 = arith.addf %add3A_633, %exp3A_627 : vector<16xf32>
      %broadcast_in_dim3A_635 = arith.constant true
      %broadcast_in_dim3A_636 = vector.broadcast %broadcast_in_dim3A_635 : i1 to vector<16xi1>
      %masked_cumsum3A_637 = tpu.scan <sum>, %add3A_634 masked %broadcast_in_dim3A_636 : vector<16xf32>, vector<16xi1> -> vector<16xf32>
      %slice3A_638 = vector.extract_strided_slice %masked_cumsum3A_637 {offsets = [15], sizes = [1], strides = [1]} : vector<16xf32> to vector<1xf32>
      %squeeze3A_639 = vector.extract %slice3A_638[0] : f32 from vector<1xf32>
      %broadcast_in_dim3A_640 = arith.constant 0.000000e+00 : f32
      %broadcast_in_dim3A_641 = vector.broadcast %broadcast_in_dim3A_640 : f32 to vector<16xf32>
      %add3A_642 = vector.broadcast %squeeze3A_639 : f32 to vector<16xf32>
      %add3A_643 = arith.addf %broadcast_in_dim3A_641, %add3A_642 : vector<16xf32>
      %broadcast_in_dim3A_644 = arith.constant 1.000000e+00 : f32
      %broadcast_in_dim3A_645 = vector.broadcast %broadcast_in_dim3A_644 : f32 to vector<16xf32>
      %div3A_646 = arith.divf %broadcast_in_dim3A_645, %add3A_643 : vector<16xf32>
      %mul3A_647 = arith.mulf %exp3A_571, %div3A_646 : vector<16xf32>
      %swap3A_648 = arith.constant 0 : i32
      %swap3A_649 = arith.constant 0 : i32
      %swap3A_650 = tpu.memref_slice %arg6[%scan3A, %swap3A_648, %swap3A_649] : memref<2x256x128xf32, #tpu.memory_space<vmem>> -> memref<1x256x128xf32, #tpu.memory_space<vmem>>
      %swap3A_651 = tpu.memref_squeeze %swap3A_650 : memref<1x256x128xf32, #tpu.memory_space<vmem>> -> memref<256x128xf32, #tpu.memory_space<vmem>>
      %swap3A_652 = arith.index_cast %add3A_563 : i32 to index
      %swap3A_653 = arith.constant 0 : index
      %swap3A_654 = tpu.vector_load %swap3A_651[%swap3A_652, %swap3A_653] {strides = array<i32>} : memref<256x128xf32, #tpu.memory_space<vmem>>, vector<16xf32>,
      tpu.vector_store %swap3A_651[%swap3A_652, %swap3A_653], %mul3A_647 {strides = array<i32>} : memref<256x128xf32, #tpu.memory_space<vmem>>, vector<16xf32>,
      %mul3A_655 = arith.mulf %exp3A_579, %div3A_646 : vector<16xf32>
      %swap3A_656 = arith.constant 0 : i32
      %swap3A_657 = arith.constant 0 : i32
      %swap3A_658 = tpu.memref_slice %arg6[%scan3A, %swap3A_656, %swap3A_657] : memref<2x256x128xf32, #tpu.memory_space<vmem>> -> memref<1x256x128xf32, #tpu.memory_space<vmem>>
      %swap3A_659 = tpu.memref_squeeze %swap3A_658 : memref<1x256x128xf32, #tpu.memory_space<vmem>> -> memref<256x128xf32, #tpu.memory_space<vmem>>
      %swap3A_660 = arith.index_cast %add3A_563 : i32 to index
      %swap3A_661 = arith.constant 16 : index
      %swap3A_662 = tpu.vector_load %swap3A_659[%swap3A_660, %swap3A_661] {strides = array<i32>} : memref<256x128xf32, #tpu.memory_space<vmem>>, vector<16xf32>,
      tpu.vector_store %swap3A_659[%swap3A_660, %swap3A_661], %mul3A_655 {strides = array<i32>} : memref<256x128xf32, #tpu.memory_space<vmem>>, vector<16xf32>,
      %mul3A_663 = arith.mulf %exp3A_587, %div3A_646 : vector<16xf32>
      %swap3A_664 = arith.constant 0 : i32
      %swap3A_665 = arith.constant 0 : i32
      %swap3A_666 = tpu.memref_slice %arg6[%scan3A, %swap3A_664, %swap3A_665] : memref<2x256x128xf32, #tpu.memory_space<vmem>> -> memref<1x256x128xf32, #tpu.memory_space<vmem>>
      %swap3A_667 = tpu.memref_squeeze %swap3A_666 : memref<1x256x128xf32, #tpu.memory_space<vmem>> -> memref<256x128xf32, #tpu.memory_space<vmem>>
      %swap3A_668 = arith.index_cast %add3A_563 : i32 to index
      %swap3A_669 = arith.constant 32 : index
      %swap3A_670 = tpu.vector_load %swap3A_667[%swap3A_668, %swap3A_669] {strides = array<i32>} : memref<256x128xf32, #tpu.memory_space<vmem>>, vector<16xf32>,
      tpu.vector_store %swap3A_667[%swap3A_668, %swap3A_669], %mul3A_663 {strides = array<i32>} : memref<256x128xf32, #tpu.memory_space<vmem>>, vector<16xf32>,
      %mul3A_671 = arith.mulf %exp3A_595, %div3A_646 : vector<16xf32>
      %swap3A_672 = arith.constant 0 : i32
      %swap3A_673 = arith.constant 0 : i32
      %swap3A_674 = tpu.memref_slice %arg6[%scan3A, %swap3A_672, %swap3A_673] : memref<2x256x128xf32, #tpu.memory_space<vmem>> -> memref<1x256x128xf32, #tpu.memory_space<vmem>>
      %swap3A_675 = tpu.memref_squeeze %swap3A_674 : memref<1x256x128xf32, #tpu.memory_space<vmem>> -> memref<256x128xf32, #tpu.memory_space<vmem>>
      %swap3A_676 = arith.index_cast %add3A_563 : i32 to index
      %swap3A_677 = arith.constant 48 : index
      %swap3A_678 = tpu.vector_load %swap3A_675[%swap3A_676, %swap3A_677] {strides = array<i32>} : memref<256x128xf32, #tpu.memory_space<vmem>>, vector<16xf32>,
      tpu.vector_store %swap3A_675[%swap3A_676, %swap3A_677], %mul3A_671 {strides = array<i32>} : memref<256x128xf32, #tpu.memory_space<vmem>>, vector<16xf32>,
      %mul3A_679 = arith.mulf %exp3A_603, %div3A_646 : vector<16xf32>
      %swap3A_680 = arith.constant 0 : i32
      %swap3A_681 = arith.constant 0 : i32
      %swap3A_682 = tpu.memref_slice %arg6[%scan3A, %swap3A_680, %swap3A_681] : memref<2x256x128xf32, #tpu.memory_space<vmem>> -> memref<1x256x128xf32, #tpu.memory_space<vmem>>
      %swap3A_683 = tpu.memref_squeeze %swap3A_682 : memref<1x256x128xf32, #tpu.memory_space<vmem>> -> memref<256x128xf32, #tpu.memory_space<vmem>>
      %swap3A_684 = arith.index_cast %add3A_563 : i32 to index
      %swap3A_685 = arith.constant 64 : index
      %swap3A_686 = tpu.vector_load %swap3A_683[%swap3A_684, %swap3A_685] {strides = array<i32>} : memref<256x128xf32, #tpu.memory_space<vmem>>, vector<16xf32>,
      tpu.vector_store %swap3A_683[%swap3A_684, %swap3A_685], %mul3A_679 {strides = array<i32>} : memref<256x128xf32, #tpu.memory_space<vmem>>, vector<16xf32>,
      %mul3A_687 = arith.mulf %exp3A_611, %div3A_646 : vector<16xf32>
      %swap3A_688 = arith.constant 0 : i32
      %swap3A_689 = arith.constant 0 : i32
      %swap3A_690 = tpu.memref_slice %arg6[%scan3A, %swap3A_688, %swap3A_689] : memref<2x256x128xf32, #tpu.memory_space<vmem>> -> memref<1x256x128xf32, #tpu.memory_space<vmem>>
      %swap3A_691 = tpu.memref_squeeze %swap3A_690 : memref<1x256x128xf32, #tpu.memory_space<vmem>> -> memref<256x128xf32, #tpu.memory_space<vmem>>
      %swap3A_692 = arith.index_cast %add3A_563 : i32 to index
      %swap3A_693 = arith.constant 80 : index
      %swap3A_694 = tpu.vector_load %swap3A_691[%swap3A_692, %swap3A_693] {strides = array<i32>} : memref<256x128xf32, #tpu.memory_space<vmem>>, vector<16xf32>,
      tpu.vector_store %swap3A_691[%swap3A_692, %swap3A_693], %mul3A_687 {strides = array<i32>} : memref<256x128xf32, #tpu.memory_space<vmem>>, vector<16xf32>,
      %mul3A_695 = arith.mulf %exp3A_619, %div3A_646 : vector<16xf32>
      %swap3A_696 = arith.constant 0 : i32
      %swap3A_697 = arith.constant 0 : i32
      %swap3A_698 = tpu.memref_slice %arg6[%scan3A, %swap3A_696, %swap3A_697] : memref<2x256x128xf32, #tpu.memory_space<vmem>> -> memref<1x256x128xf32, #tpu.memory_space<vmem>>
      %swap3A_699 = tpu.memref_squeeze %swap3A_698 : memref<1x256x128xf32, #tpu.memory_space<vmem>> -> memref<256x128xf32, #tpu.memory_space<vmem>>
      %swap3A_700 = arith.index_cast %add3A_563 : i32 to index
      %swap3A_701 = arith.constant 96 : index
      %swap3A_702 = tpu.vector_load %swap3A_699[%swap3A_700, %swap3A_701] {strides = array<i32>} : memref<256x128xf32, #tpu.memory_space<vmem>>, vector<16xf32>,
      tpu.vector_store %swap3A_699[%swap3A_700, %swap3A_701], %mul3A_695 {strides = array<i32>} : memref<256x128xf32, #tpu.memory_space<vmem>>, vector<16xf32>,
      %mul3A_703 = arith.mulf %exp3A_627, %div3A_646 : vector<16xf32>
      %swap3A_704 = arith.constant 0 : i32
      %swap3A_705 = arith.constant 0 : i32
      %swap3A_706 = tpu.memref_slice %arg6[%scan3A, %swap3A_704, %swap3A_705] : memref<2x256x128xf32, #tpu.memory_space<vmem>> -> memref<1x256x128xf32, #tpu.memory_space<vmem>>
      %swap3A_707 = tpu.memref_squeeze %swap3A_706 : memref<1x256x128xf32, #tpu.memory_space<vmem>> -> memref<256x128xf32, #tpu.memory_space<vmem>>
      %swap3A_708 = arith.index_cast %add3A_563 : i32 to index
      %swap3A_709 = arith.constant 112 : index
      %swap3A_710 = tpu.vector_load %swap3A_707[%swap3A_708, %swap3A_709] {strides = array<i32>} : memref<256x128xf32, #tpu.memory_space<vmem>>, vector<16xf32>,
      tpu.vector_store %swap3A_707[%swap3A_708, %swap3A_709], %mul3A_703 {strides = array<i32>} : memref<256x128xf32, #tpu.memory_space<vmem>>, vector<16xf32>,
    }
    %scan3A_35 = arith.constant 256 : i32
    %add3A_36 = arith.constant 0 : i32
    %add3A_37 = arith.addi %mul3A_2, %add3A_36 : i32
    %dma_start3A_38 = arith.constant 0 : i32
    %dma_start3A_39 = arith.constant 0 : i32
    %dma_start3A_40 = arith.constant 0 : i32
    %dma_start3A_41 = tpu.memref_slice %arg6[%dma_start3A_38, %dma_start3A_39, %dma_start3A_40] : memref<2x256x128xf32, #tpu.memory_space<vmem>> -> memref<1x256x128xf32, #tpu.memory_space<vmem>>
    %dma_start3A_42 = tpu.memref_squeeze %dma_start3A_41 : memref<1x256x128xf32, #tpu.memory_space<vmem>> -> memref<256x128xf32, #tpu.memory_space<vmem>>
    %dma_start3A_43 = arith.constant 0 : i32
    %dma_start3A_44 = tpu.memref_slice %arg4[%add3A_37, %dma_start3A_43] : memref<16384x128xf32, #tpu.memory_space<hbm>> -> memref<256x128xf32, #tpu.memory_space<hbm>>
    %dma_start3A_45 = arith.constant 0 : i32
    %dma_start3A_46 = tpu.memref_slice %arg4[%add3A_37, %dma_start3A_45] : memref<16384x128xf32, #tpu.memory_space<hbm>> -> memref<256x128xf32, #tpu.memory_space<hbm>>
    %dma_start3A_47 = arith.constant 0 : i32
    %dma_start3A_48 = arith.constant 0 : i32
    %dma_start3A_49 = tpu.memref_slice %arg6[%dma_start3A_38, %dma_start3A_47, %dma_start3A_48] : memref<2x256x128xf32, #tpu.memory_space<vmem>> -> memref<1x256x128xf32, #tpu.memory_space<vmem>>
    %dma_start3A_50 = tpu.memref_squeeze %dma_start3A_49 : memref<1x256x128xf32, #tpu.memory_space<vmem>> -> memref<256x128xf32, #tpu.memory_space<vmem>>
    tpu.enqueue_dma source(%dma_start3A_50 : memref<256x128xf32, #tpu.memory_space<vmem>>) target(%dma_start3A_46 : memref<256x128xf32, #tpu.memory_space<hbm>>) target_semaphore(%arg8 : memref<!tpu.dma_semaphore, #tpu.memory_space<semaphore_mem>>)
    %dma_wait3A_51 = arith.constant 1 : i32
    %dma_wait3A_52 = arith.constant 0 : i32
    %dma_wait3A_53 = arith.constant 0 : i32
    %dma_wait3A_54 = tpu.memref_slice %arg6[%dma_wait3A_51, %dma_wait3A_52, %dma_wait3A_53] : memref<2x256x128xf32, #tpu.memory_space<vmem>> -> memref<1x256x128xf32, #tpu.memory_space<vmem>>
    %dma_wait3A_55 = tpu.memref_squeeze %dma_wait3A_54 : memref<1x256x128xf32, #tpu.memory_space<vmem>> -> memref<256x128xf32, #tpu.memory_space<vmem>>
    %dma_wait3A_56 = arith.constant 256 : i32
    %dma_wait3A_57 = tpu.memref_slice %arg5[%dma_wait3A_56] : memref<512xi32, #tpu.memory_space<vmem>> -> memref<256xi32, #tpu.memory_space<vmem>>
    %dma_wait3A_58 = arith.constant 0 : i32
    %dma_wait3A_59 = arith.constant 0 : i32
    %dma_wait3A_60 = tpu.memref_slice %arg3[%dma_wait3A_58, %dma_wait3A_59] : memref<1000000x128xf32, #tpu.memory_space<hbm>> -> memref<1000000x128xf32, #tpu.memory_space<hbm>>
    tpu.wait_indirect_dma semaphore(%arg7 : memref<!tpu.dma_semaphore, #tpu.memory_space<semaphore_mem>>) src(%dma_wait3A_60 : memref<1000000x128xf32, #tpu.memory_space<hbm>>) dst(%dma_wait3A_55 : memref<256x128xf32, #tpu.memory_space<vmem>>)
    %scan3A_61 = arith.constant 1 : i32
    %scan3A_62 = arith.constant 0 : i32
    %scan3A_63 = arith.constant 256 : i32
    %scan3A_64 = arith.addi %scan3A_62, %scan3A_63 : i32
    %scan3A_65 = arith.constant 4 : i32
    scf.for %scan3A_108 = %scan3A_62 to %scan3A_64 step %scan3A_65  : i32 {
      %mul3A_109 = arith.constant 1 : i32
      %mul3A_110 = arith.muli %scan3A_108, %mul3A_109 : i32
      %add3A_111 = arith.constant 0 : i32
      %add3A_112 = arith.addi %add3A_111, %mul3A_110 : i32
      %get3A = arith.constant 0 : i32
      %get3A_113 = arith.constant 0 : i32
      %get3A_114 = tpu.memref_slice %arg6[%scan3A_61, %get3A, %get3A_113] : memref<2x256x128xf32, #tpu.memory_space<vmem>> -> memref<1x256x128xf32, #tpu.memory_space<vmem>>
      %get3A_115 = tpu.memref_squeeze %get3A_114 : memref<1x256x128xf32, #tpu.memory_space<vmem>> -> memref<256x128xf32, #tpu.memory_space<vmem>>
      %get3A_116 = arith.index_cast %add3A_112 : i32 to index
      %get3A_117 = arith.constant 0 : index
      %get3A_118 = tpu.vector_load %get3A_115[%get3A_116, %get3A_117] {strides = array<i32>} : memref<256x128xf32, #tpu.memory_space<vmem>>, vector<16xf32>,
      %exp3A = math.exp %get3A_118 : vector<16xf32>
      %get3A_119 = arith.constant 0 : i32
      %get3A_120 = arith.constant 0 : i32
      %get3A_121 = tpu.memref_slice %arg6[%scan3A_61, %get3A_119, %get3A_120] : memref<2x256x128xf32, #tpu.memory_space<vmem>> -> memref<1x256x128xf32, #tpu.memory_space<vmem>>
      %get3A_122 = tpu.memref_squeeze %get3A_121 : memref<1x256x128xf32, #tpu.memory_space<vmem>> -> memref<256x128xf32, #tpu.memory_space<vmem>>
      %get3A_123 = arith.index_cast %add3A_112 : i32 to index
      %get3A_124 = arith.constant 16 : index
      %get3A_125 = tpu.vector_load %get3A_122[%get3A_123, %get3A_124] {strides = array<i32>} : memref<256x128xf32, #tpu.memory_space<vmem>>, vector<16xf32>,
      %exp3A_126 = math.exp %get3A_125 : vector<16xf32>
      %get3A_127 = arith.constant 0 : i32
      %get3A_128 = arith.constant 0 : i32
      %get3A_129 = tpu.memref_slice %arg6[%scan3A_61, %get3A_127, %get3A_128] : memref<2x256x128xf32, #tpu.memory_space<vmem>> -> memref<1x256x128xf32, #tpu.memory_space<vmem>>
      %get3A_130 = tpu.memref_squeeze %get3A_129 : memref<1x256x128xf32, #tpu.memory_space<vmem>> -> memref<256x128xf32, #tpu.memory_space<vmem>>
      %get3A_131 = arith.index_cast %add3A_112 : i32 to index
      %get3A_132 = arith.constant 32 : index
      %get3A_133 = tpu.vector_load %get3A_130[%get3A_131, %get3A_132] {strides = array<i32>} : memref<256x128xf32, #tpu.memory_space<vmem>>, vector<16xf32>,
      %exp3A_134 = math.exp %get3A_133 : vector<16xf32>
      %get3A_135 = arith.constant 0 : i32
      %get3A_136 = arith.constant 0 : i32
      %get3A_137 = tpu.memref_slice %arg6[%scan3A_61, %get3A_135, %get3A_136] : memref<2x256x128xf32, #tpu.memory_space<vmem>> -> memref<1x256x128xf32, #tpu.memory_space<vmem>>
      %get3A_138 = tpu.memref_squeeze %get3A_137 : memref<1x256x128xf32, #tpu.memory_space<vmem>> -> memref<256x128xf32, #tpu.memory_space<vmem>>
      %get3A_139 = arith.index_cast %add3A_112 : i32 to index
      %get3A_140 = arith.constant 48 : index
      %get3A_141 = tpu.vector_load %get3A_138[%get3A_139, %get3A_140] {strides = array<i32>} : memref<256x128xf32, #tpu.memory_space<vmem>>, vector<16xf32>,
      %exp3A_142 = math.exp %get3A_141 : vector<16xf32>
      %get3A_143 = arith.constant 0 : i32
      %get3A_144 = arith.constant 0 : i32
      %get3A_145 = tpu.memref_slice %arg6[%scan3A_61, %get3A_143, %get3A_144] : memref<2x256x128xf32, #tpu.memory_space<vmem>> -> memref<1x256x128xf32, #tpu.memory_space<vmem>>
      %get3A_146 = tpu.memref_squeeze %get3A_145 : memref<1x256x128xf32, #tpu.memory_space<vmem>> -> memref<256x128xf32, #tpu.memory_space<vmem>>
      %get3A_147 = arith.index_cast %add3A_112 : i32 to index
      %get3A_148 = arith.constant 64 : index
      %get3A_149 = tpu.vector_load %get3A_146[%get3A_147, %get3A_148] {strides = array<i32>} : memref<256x128xf32, #tpu.memory_space<vmem>>, vector<16xf32>,
      %exp3A_150 = math.exp %get3A_149 : vector<16xf32>
      %get3A_151 = arith.constant 0 : i32
      %get3A_152 = arith.constant 0 : i32
      %get3A_153 = tpu.memref_slice %arg6[%scan3A_61, %get3A_151, %get3A_152] : memref<2x256x128xf32, #tpu.memory_space<vmem>> -> memref<1x256x128xf32, #tpu.memory_space<vmem>>
      %get3A_154 = tpu.memref_squeeze %get3A_153 : memref<1x256x128xf32, #tpu.memory_space<vmem>> -> memref<256x128xf32, #tpu.memory_space<vmem>>
      %get3A_155 = arith.index_cast %add3A_112 : i32 to index
      %get3A_156 = arith.constant 80 : index
      %get3A_157 = tpu.vector_load %get3A_154[%get3A_155, %get3A_156] {strides = array<i32>} : memref<256x128xf32, #tpu.memory_space<vmem>>, vector<16xf32>,
      %exp3A_158 = math.exp %get3A_157 : vector<16xf32>
      %get3A_159 = arith.constant 0 : i32
      %get3A_160 = arith.constant 0 : i32
      %get3A_161 = tpu.memref_slice %arg6[%scan3A_61, %get3A_159, %get3A_160] : memref<2x256x128xf32, #tpu.memory_space<vmem>> -> memref<1x256x128xf32, #tpu.memory_space<vmem>>
      %get3A_162 = tpu.memref_squeeze %get3A_161 : memref<1x256x128xf32, #tpu.memory_space<vmem>> -> memref<256x128xf32, #tpu.memory_space<vmem>>
      %get3A_163 = arith.index_cast %add3A_112 : i32 to index
      %get3A_164 = arith.constant 96 : index
      %get3A_165 = tpu.vector_load %get3A_162[%get3A_163, %get3A_164] {strides = array<i32>} : memref<256x128xf32, #tpu.memory_space<vmem>>, vector<16xf32>,
      %exp3A_166 = math.exp %get3A_165 : vector<16xf32>
      %get3A_167 = arith.constant 0 : i32
      %get3A_168 = arith.constant 0 : i32
      %get3A_169 = tpu.memref_slice %arg6[%scan3A_61, %get3A_167, %get3A_168] : memref<2x256x128xf32, #tpu.memory_space<vmem>> -> memref<1x256x128xf32, #tpu.memory_space<vmem>>
      %get3A_170 = tpu.memref_squeeze %get3A_169 : memref<1x256x128xf32, #tpu.memory_space<vmem>> -> memref<256x128xf32, #tpu.memory_space<vmem>>
      %get3A_171 = arith.index_cast %add3A_112 : i32 to index
      %get3A_172 = arith.constant 112 : index
      %get3A_173 = tpu.vector_load %get3A_170[%get3A_171, %get3A_172] {strides = array<i32>} : memref<256x128xf32, #tpu.memory_space<vmem>>, vector<16xf32>,
      %exp3A_174 = math.exp %get3A_173 : vector<16xf32>
      %add3A_175 = arith.addf %exp3A, %exp3A_126 : vector<16xf32>
      %add3A_176 = arith.addf %add3A_175, %exp3A_134 : vector<16xf32>
      %add3A_177 = arith.addf %add3A_176, %exp3A_142 : vector<16xf32>
      %add3A_178 = arith.addf %add3A_177, %exp3A_150 : vector<16xf32>
      %add3A_179 = arith.addf %add3A_178, %exp3A_158 : vector<16xf32>
      %add3A_180 = arith.addf %add3A_179, %exp3A_166 : vector<16xf32>
      %add3A_181 = arith.addf %add3A_180, %exp3A_174 : vector<16xf32>
      %broadcast_in_dim3A = arith.constant true
      %broadcast_in_dim3A_182 = vector.broadcast %broadcast_in_dim3A : i1 to vector<16xi1>
      %masked_cumsum3A = tpu.scan <sum>, %add3A_181 masked %broadcast_in_dim3A_182 : vector<16xf32>, vector<16xi1> -> vector<16xf32>
      %slice3A = vector.extract_strided_slice %masked_cumsum3A {offsets = [15], sizes = [1], strides = [1]} : vector<16xf32> to vector<1xf32>
      %squeeze3A = vector.extract %slice3A[0] : f32 from vector<1xf32>
      %broadcast_in_dim3A_183 = arith.constant 0.000000e+00 : f32
      %broadcast_in_dim3A_184 = vector.broadcast %broadcast_in_dim3A_183 : f32 to vector<16xf32>
      %add3A_185 = vector.broadcast %squeeze3A : f32 to vector<16xf32>
      %add3A_186 = arith.addf %broadcast_in_dim3A_184, %add3A_185 : vector<16xf32>
      %broadcast_in_dim3A_187 = arith.constant 1.000000e+00 : f32
      %broadcast_in_dim3A_188 = vector.broadcast %broadcast_in_dim3A_187 : f32 to vector<16xf32>
      %div3A = arith.divf %broadcast_in_dim3A_188, %add3A_186 : vector<16xf32>
      %mul3A_189 = arith.mulf %exp3A, %div3A : vector<16xf32>
      %swap3A = arith.constant 0 : i32
      %swap3A_190 = arith.constant 0 : i32
      %swap3A_191 = tpu.memref_slice %arg6[%scan3A_61, %swap3A, %swap3A_190] : memref<2x256x128xf32, #tpu.memory_space<vmem>> -> memref<1x256x128xf32, #tpu.memory_space<vmem>>
      %swap3A_192 = tpu.memref_squeeze %swap3A_191 : memref<1x256x128xf32, #tpu.memory_space<vmem>> -> memref<256x128xf32, #tpu.memory_space<vmem>>
      %swap3A_193 = arith.index_cast %add3A_112 : i32 to index
      %swap3A_194 = arith.constant 0 : index
      %swap3A_195 = tpu.vector_load %swap3A_192[%swap3A_193, %swap3A_194] {strides = array<i32>} : memref<256x128xf32, #tpu.memory_space<vmem>>, vector<16xf32>,
      tpu.vector_store %swap3A_192[%swap3A_193, %swap3A_194], %mul3A_189 {strides = array<i32>} : memref<256x128xf32, #tpu.memory_space<vmem>>, vector<16xf32>,
      %mul3A_196 = arith.mulf %exp3A_126, %div3A : vector<16xf32>
      %swap3A_197 = arith.constant 0 : i32
      %swap3A_198 = arith.constant 0 : i32
      %swap3A_199 = tpu.memref_slice %arg6[%scan3A_61, %swap3A_197, %swap3A_198] : memref<2x256x128xf32, #tpu.memory_space<vmem>> -> memref<1x256x128xf32, #tpu.memory_space<vmem>>
      %swap3A_200 = tpu.memref_squeeze %swap3A_199 : memref<1x256x128xf32, #tpu.memory_space<vmem>> -> memref<256x128xf32, #tpu.memory_space<vmem>>
      %swap3A_201 = arith.index_cast %add3A_112 : i32 to index
      %swap3A_202 = arith.constant 16 : index
      %swap3A_203 = tpu.vector_load %swap3A_200[%swap3A_201, %swap3A_202] {strides = array<i32>} : memref<256x128xf32, #tpu.memory_space<vmem>>, vector<16xf32>,
      tpu.vector_store %swap3A_200[%swap3A_201, %swap3A_202], %mul3A_196 {strides = array<i32>} : memref<256x128xf32, #tpu.memory_space<vmem>>, vector<16xf32>,
      %mul3A_204 = arith.mulf %exp3A_134, %div3A : vector<16xf32>
      %swap3A_205 = arith.constant 0 : i32
      %swap3A_206 = arith.constant 0 : i32
      %swap3A_207 = tpu.memref_slice %arg6[%scan3A_61, %swap3A_205, %swap3A_206] : memref<2x256x128xf32, #tpu.memory_space<vmem>> -> memref<1x256x128xf32, #tpu.memory_space<vmem>>
      %swap3A_208 = tpu.memref_squeeze %swap3A_207 : memref<1x256x128xf32, #tpu.memory_space<vmem>> -> memref<256x128xf32, #tpu.memory_space<vmem>>
      %swap3A_209 = arith.index_cast %add3A_112 : i32 to index
      %swap3A_210 = arith.constant 32 : index
      %swap3A_211 = tpu.vector_load %swap3A_208[%swap3A_209, %swap3A_210] {strides = array<i32>} : memref<256x128xf32, #tpu.memory_space<vmem>>, vector<16xf32>,
      tpu.vector_store %swap3A_208[%swap3A_209, %swap3A_210], %mul3A_204 {strides = array<i32>} : memref<256x128xf32, #tpu.memory_space<vmem>>, vector<16xf32>,
      %mul3A_212 = arith.mulf %exp3A_142, %div3A : vector<16xf32>
      %swap3A_213 = arith.constant 0 : i32
      %swap3A_214 = arith.constant 0 : i32
      %swap3A_215 = tpu.memref_slice %arg6[%scan3A_61, %swap3A_213, %swap3A_214] : memref<2x256x128xf32, #tpu.memory_space<vmem>> -> memref<1x256x128xf32, #tpu.memory_space<vmem>>
      %swap3A_216 = tpu.memref_squeeze %swap3A_215 : memref<1x256x128xf32, #tpu.memory_space<vmem>> -> memref<256x128xf32, #tpu.memory_space<vmem>>
      %swap3A_217 = arith.index_cast %add3A_112 : i32 to index
      %swap3A_218 = arith.constant 48 : index
      %swap3A_219 = tpu.vector_load %swap3A_216[%swap3A_217, %swap3A_218] {strides = array<i32>} : memref<256x128xf32, #tpu.memory_space<vmem>>, vector<16xf32>,
      tpu.vector_store %swap3A_216[%swap3A_217, %swap3A_218], %mul3A_212 {strides = array<i32>} : memref<256x128xf32, #tpu.memory_space<vmem>>, vector<16xf32>,
      %mul3A_220 = arith.mulf %exp3A_150, %div3A : vector<16xf32>
      %swap3A_221 = arith.constant 0 : i32
      %swap3A_222 = arith.constant 0 : i32
      %swap3A_223 = tpu.memref_slice %arg6[%scan3A_61, %swap3A_221, %swap3A_222] : memref<2x256x128xf32, #tpu.memory_space<vmem>> -> memref<1x256x128xf32, #tpu.memory_space<vmem>>
      %swap3A_224 = tpu.memref_squeeze %swap3A_223 : memref<1x256x128xf32, #tpu.memory_space<vmem>> -> memref<256x128xf32, #tpu.memory_space<vmem>>
      %swap3A_225 = arith.index_cast %add3A_112 : i32 to index
      %swap3A_226 = arith.constant 64 : index
      %swap3A_227 = tpu.vector_load %swap3A_224[%swap3A_225, %swap3A_226] {strides = array<i32>} : memref<256x128xf32, #tpu.memory_space<vmem>>, vector<16xf32>,
      tpu.vector_store %swap3A_224[%swap3A_225, %swap3A_226], %mul3A_220 {strides = array<i32>} : memref<256x128xf32, #tpu.memory_space<vmem>>, vector<16xf32>,
      %mul3A_228 = arith.mulf %exp3A_158, %div3A : vector<16xf32>
      %swap3A_229 = arith.constant 0 : i32
      %swap3A_230 = arith.constant 0 : i32
      %swap3A_231 = tpu.memref_slice %arg6[%scan3A_61, %swap3A_229, %swap3A_230] : memref<2x256x128xf32, #tpu.memory_space<vmem>> -> memref<1x256x128xf32, #tpu.memory_space<vmem>>
      %swap3A_232 = tpu.memref_squeeze %swap3A_231 : memref<1x256x128xf32, #tpu.memory_space<vmem>> -> memref<256x128xf32, #tpu.memory_space<vmem>>
      %swap3A_233 = arith.index_cast %add3A_112 : i32 to index
      %swap3A_234 = arith.constant 80 : index
      %swap3A_235 = tpu.vector_load %swap3A_232[%swap3A_233, %swap3A_234] {strides = array<i32>} : memref<256x128xf32, #tpu.memory_space<vmem>>, vector<16xf32>,
      tpu.vector_store %swap3A_232[%swap3A_233, %swap3A_234], %mul3A_228 {strides = array<i32>} : memref<256x128xf32, #tpu.memory_space<vmem>>, vector<16xf32>,
      %mul3A_236 = arith.mulf %exp3A_166, %div3A : vector<16xf32>
      %swap3A_237 = arith.constant 0 : i32
      %swap3A_238 = arith.constant 0 : i32
      %swap3A_239 = tpu.memref_slice %arg6[%scan3A_61, %swap3A_237, %swap3A_238] : memref<2x256x128xf32, #tpu.memory_space<vmem>> -> memref<1x256x128xf32, #tpu.memory_space<vmem>>
      %swap3A_240 = tpu.memref_squeeze %swap3A_239 : memref<1x256x128xf32, #tpu.memory_space<vmem>> -> memref<256x128xf32, #tpu.memory_space<vmem>>
      %swap3A_241 = arith.index_cast %add3A_112 : i32 to index
      %swap3A_242 = arith.constant 96 : index
      %swap3A_243 = tpu.vector_load %swap3A_240[%swap3A_241, %swap3A_242] {strides = array<i32>} : memref<256x128xf32, #tpu.memory_space<vmem>>, vector<16xf32>,
      tpu.vector_store %swap3A_240[%swap3A_241, %swap3A_242], %mul3A_236 {strides = array<i32>} : memref<256x128xf32, #tpu.memory_space<vmem>>, vector<16xf32>,
      %mul3A_244 = arith.mulf %exp3A_174, %div3A : vector<16xf32>
      %swap3A_245 = arith.constant 0 : i32
      %swap3A_246 = arith.constant 0 : i32
      %swap3A_247 = tpu.memref_slice %arg6[%scan3A_61, %swap3A_245, %swap3A_246] : memref<2x256x128xf32, #tpu.memory_space<vmem>> -> memref<1x256x128xf32, #tpu.memory_space<vmem>>
      %swap3A_248 = tpu.memref_squeeze %swap3A_247 : memref<1x256x128xf32, #tpu.memory_space<vmem>> -> memref<256x128xf32, #tpu.memory_space<vmem>>
      %swap3A_249 = arith.index_cast %add3A_112 : i32 to index
      %swap3A_250 = arith.constant 112 : index
      %swap3A_251 = tpu.vector_load %swap3A_248[%swap3A_249, %swap3A_250] {strides = array<i32>} : memref<256x128xf32, #tpu.memory_space<vmem>>, vector<16xf32>,
      tpu.vector_store %swap3A_248[%swap3A_249, %swap3A_250], %mul3A_244 {strides = array<i32>} : memref<256x128xf32, #tpu.memory_space<vmem>>, vector<16xf32>,
      %scan3A_252 = arith.constant 1 : i32
      %scan3A_253 = arith.addi %scan3A_108, %scan3A_252 : i32
      %mul3A_254 = arith.constant 1 : i32
      %mul3A_255 = arith.muli %scan3A_253, %mul3A_254 : i32
      %add3A_256 = arith.constant 0 : i32
      %add3A_257 = arith.addi %add3A_256, %mul3A_255 : i32
      %get3A_258 = arith.constant 0 : i32
      %get3A_259 = arith.constant 0 : i32
      %get3A_260 = tpu.memref_slice %arg6[%scan3A_61, %get3A_258, %get3A_259] : memref<2x256x128xf32, #tpu.memory_space<vmem>> -> memref<1x256x128xf32, #tpu.memory_space<vmem>>
      %get3A_261 = tpu.memref_squeeze %get3A_260 : memref<1x256x128xf32, #tpu.memory_space<vmem>> -> memref<256x128xf32, #tpu.memory_space<vmem>>
      %get3A_262 = arith.index_cast %add3A_257 : i32 to index
      %get3A_263 = arith.constant 0 : index
      %get3A_264 = tpu.vector_load %get3A_261[%get3A_262, %get3A_263] {strides = array<i32>} : memref<256x128xf32, #tpu.memory_space<vmem>>, vector<16xf32>,
      %exp3A_265 = math.exp %get3A_264 : vector<16xf32>
      %get3A_266 = arith.constant 0 : i32
      %get3A_267 = arith.constant 0 : i32
      %get3A_268 = tpu.memref_slice %arg6[%scan3A_61, %get3A_266, %get3A_267] : memref<2x256x128xf32, #tpu.memory_space<vmem>> -> memref<1x256x128xf32, #tpu.memory_space<vmem>>
      %get3A_269 = tpu.memref_squeeze %get3A_268 : memref<1x256x128xf32, #tpu.memory_space<vmem>> -> memref<256x128xf32, #tpu.memory_space<vmem>>
      %get3A_270 = arith.index_cast %add3A_257 : i32 to index
      %get3A_271 = arith.constant 16 : index
      %get3A_272 = tpu.vector_load %get3A_269[%get3A_270, %get3A_271] {strides = array<i32>} : memref<256x128xf32, #tpu.memory_space<vmem>>, vector<16xf32>,
      %exp3A_273 = math.exp %get3A_272 : vector<16xf32>
      %get3A_274 = arith.constant 0 : i32
      %get3A_275 = arith.constant 0 : i32
      %get3A_276 = tpu.memref_slice %arg6[%scan3A_61, %get3A_274, %get3A_275] : memref<2x256x128xf32, #tpu.memory_space<vmem>> -> memref<1x256x128xf32, #tpu.memory_space<vmem>>
      %get3A_277 = tpu.memref_squeeze %get3A_276 : memref<1x256x128xf32, #tpu.memory_space<vmem>> -> memref<256x128xf32, #tpu.memory_space<vmem>>
      %get3A_278 = arith.index_cast %add3A_257 : i32 to index
      %get3A_279 = arith.constant 32 : index
      %get3A_280 = tpu.vector_load %get3A_277[%get3A_278, %get3A_279] {strides = array<i32>} : memref<256x128xf32, #tpu.memory_space<vmem>>, vector<16xf32>,
      %exp3A_281 = math.exp %get3A_280 : vector<16xf32>
      %get3A_282 = arith.constant 0 : i32
      %get3A_283 = arith.constant 0 : i32
      %get3A_284 = tpu.memref_slice %arg6[%scan3A_61, %get3A_282, %get3A_283] : memref<2x256x128xf32, #tpu.memory_space<vmem>> -> memref<1x256x128xf32, #tpu.memory_space<vmem>>
      %get3A_285 = tpu.memref_squeeze %get3A_284 : memref<1x256x128xf32, #tpu.memory_space<vmem>> -> memref<256x128xf32, #tpu.memory_space<vmem>>
      %get3A_286 = arith.index_cast %add3A_257 : i32 to index
      %get3A_287 = arith.constant 48 : index
      %get3A_288 = tpu.vector_load %get3A_285[%get3A_286, %get3A_287] {strides = array<i32>} : memref<256x128xf32, #tpu.memory_space<vmem>>, vector<16xf32>,
      %exp3A_289 = math.exp %get3A_288 : vector<16xf32>
      %get3A_290 = arith.constant 0 : i32
      %get3A_291 = arith.constant 0 : i32
      %get3A_292 = tpu.memref_slice %arg6[%scan3A_61, %get3A_290, %get3A_291] : memref<2x256x128xf32, #tpu.memory_space<vmem>> -> memref<1x256x128xf32, #tpu.memory_space<vmem>>
      %get3A_293 = tpu.memref_squeeze %get3A_292 : memref<1x256x128xf32, #tpu.memory_space<vmem>> -> memref<256x128xf32, #tpu.memory_space<vmem>>
      %get3A_294 = arith.index_cast %add3A_257 : i32 to index
      %get3A_295 = arith.constant 64 : index
      %get3A_296 = tpu.vector_load %get3A_293[%get3A_294, %get3A_295] {strides = array<i32>} : memref<256x128xf32, #tpu.memory_space<vmem>>, vector<16xf32>,
      %exp3A_297 = math.exp %get3A_296 : vector<16xf32>
      %get3A_298 = arith.constant 0 : i32
      %get3A_299 = arith.constant 0 : i32
      %get3A_300 = tpu.memref_slice %arg6[%scan3A_61, %get3A_298, %get3A_299] : memref<2x256x128xf32, #tpu.memory_space<vmem>> -> memref<1x256x128xf32, #tpu.memory_space<vmem>>
      %get3A_301 = tpu.memref_squeeze %get3A_300 : memref<1x256x128xf32, #tpu.memory_space<vmem>> -> memref<256x128xf32, #tpu.memory_space<vmem>>
      %get3A_302 = arith.index_cast %add3A_257 : i32 to index
      %get3A_303 = arith.constant 80 : index
      %get3A_304 = tpu.vector_load %get3A_301[%get3A_302, %get3A_303] {strides = array<i32>} : memref<256x128xf32, #tpu.memory_space<vmem>>, vector<16xf32>,
      %exp3A_305 = math.exp %get3A_304 : vector<16xf32>
      %get3A_306 = arith.constant 0 : i32
      %get3A_307 = arith.constant 0 : i32
      %get3A_308 = tpu.memref_slice %arg6[%scan3A_61, %get3A_306, %get3A_307] : memref<2x256x128xf32, #tpu.memory_space<vmem>> -> memref<1x256x128xf32, #tpu.memory_space<vmem>>
      %get3A_309 = tpu.memref_squeeze %get3A_308 : memref<1x256x128xf32, #tpu.memory_space<vmem>> -> memref<256x128xf32, #tpu.memory_space<vmem>>
      %get3A_310 = arith.index_cast %add3A_257 : i32 to index
      %get3A_311 = arith.constant 96 : index
      %get3A_312 = tpu.vector_load %get3A_309[%get3A_310, %get3A_311] {strides = array<i32>} : memref<256x128xf32, #tpu.memory_space<vmem>>, vector<16xf32>,
      %exp3A_313 = math.exp %get3A_312 : vector<16xf32>
      %get3A_314 = arith.constant 0 : i32
      %get3A_315 = arith.constant 0 : i32
      %get3A_316 = tpu.memref_slice %arg6[%scan3A_61, %get3A_314, %get3A_315] : memref<2x256x128xf32, #tpu.memory_space<vmem>> -> memref<1x256x128xf32, #tpu.memory_space<vmem>>
      %get3A_317 = tpu.memref_squeeze %get3A_316 : memref<1x256x128xf32, #tpu.memory_space<vmem>> -> memref<256x128xf32, #tpu.memory_space<vmem>>
      %get3A_318 = arith.index_cast %add3A_257 : i32 to index
      %get3A_319 = arith.constant 112 : index
      %get3A_320 = tpu.vector_load %get3A_317[%get3A_318, %get3A_319] {strides = array<i32>} : memref<256x128xf32, #tpu.memory_space<vmem>>, vector<16xf32>,
      %exp3A_321 = math.exp %get3A_320 : vector<16xf32>
      %add3A_322 = arith.addf %exp3A_265, %exp3A_273 : vector<16xf32>
      %add3A_323 = arith.addf %add3A_322, %exp3A_281 : vector<16xf32>
      %add3A_324 = arith.addf %add3A_323, %exp3A_289 : vector<16xf32>
      %add3A_325 = arith.addf %add3A_324, %exp3A_297 : vector<16xf32>
      %add3A_326 = arith.addf %add3A_325, %exp3A_305 : vector<16xf32>
      %add3A_327 = arith.addf %add3A_326, %exp3A_313 : vector<16xf32>
      %add3A_328 = arith.addf %add3A_327, %exp3A_321 : vector<16xf32>
      %broadcast_in_dim3A_329 = arith.constant true
      %broadcast_in_dim3A_330 = vector.broadcast %broadcast_in_dim3A_329 : i1 to vector<16xi1>
      %masked_cumsum3A_331 = tpu.scan <sum>, %add3A_328 masked %broadcast_in_dim3A_330 : vector<16xf32>, vector<16xi1> -> vector<16xf32>
      %slice3A_332 = vector.extract_strided_slice %masked_cumsum3A_331 {offsets = [15], sizes = [1], strides = [1]} : vector<16xf32> to vector<1xf32>
      %squeeze3A_333 = vector.extract %slice3A_332[0] : f32 from vector<1xf32>
      %broadcast_in_dim3A_334 = arith.constant 0.000000e+00 : f32
      %broadcast_in_dim3A_335 = vector.broadcast %broadcast_in_dim3A_334 : f32 to vector<16xf32>
      %add3A_336 = vector.broadcast %squeeze3A_333 : f32 to vector<16xf32>
      %add3A_337 = arith.addf %broadcast_in_dim3A_335, %add3A_336 : vector<16xf32>
      %broadcast_in_dim3A_338 = arith.constant 1.000000e+00 : f32
      %broadcast_in_dim3A_339 = vector.broadcast %broadcast_in_dim3A_338 : f32 to vector<16xf32>
      %div3A_340 = arith.divf %broadcast_in_dim3A_339, %add3A_337 : vector<16xf32>
      %mul3A_341 = arith.mulf %exp3A_265, %div3A_340 : vector<16xf32>
      %swap3A_342 = arith.constant 0 : i32
      %swap3A_343 = arith.constant 0 : i32
      %swap3A_344 = tpu.memref_slice %arg6[%scan3A_61, %swap3A_342, %swap3A_343] : memref<2x256x128xf32, #tpu.memory_space<vmem>> -> memref<1x256x128xf32, #tpu.memory_space<vmem>>
      %swap3A_345 = tpu.memref_squeeze %swap3A_344 : memref<1x256x128xf32, #tpu.memory_space<vmem>> -> memref<256x128xf32, #tpu.memory_space<vmem>>
      %swap3A_346 = arith.index_cast %add3A_257 : i32 to index
      %swap3A_347 = arith.constant 0 : index
      %swap3A_348 = tpu.vector_load %swap3A_345[%swap3A_346, %swap3A_347] {strides = array<i32>} : memref<256x128xf32, #tpu.memory_space<vmem>>, vector<16xf32>,
      tpu.vector_store %swap3A_345[%swap3A_346, %swap3A_347], %mul3A_341 {strides = array<i32>} : memref<256x128xf32, #tpu.memory_space<vmem>>, vector<16xf32>,
      %mul3A_349 = arith.mulf %exp3A_273, %div3A_340 : vector<16xf32>
      %swap3A_350 = arith.constant 0 : i32
      %swap3A_351 = arith.constant 0 : i32
      %swap3A_352 = tpu.memref_slice %arg6[%scan3A_61, %swap3A_350, %swap3A_351] : memref<2x256x128xf32, #tpu.memory_space<vmem>> -> memref<1x256x128xf32, #tpu.memory_space<vmem>>
      %swap3A_353 = tpu.memref_squeeze %swap3A_352 : memref<1x256x128xf32, #tpu.memory_space<vmem>> -> memref<256x128xf32, #tpu.memory_space<vmem>>
      %swap3A_354 = arith.index_cast %add3A_257 : i32 to index
      %swap3A_355 = arith.constant 16 : index
      %swap3A_356 = tpu.vector_load %swap3A_353[%swap3A_354, %swap3A_355] {strides = array<i32>} : memref<256x128xf32, #tpu.memory_space<vmem>>, vector<16xf32>,
      tpu.vector_store %swap3A_353[%swap3A_354, %swap3A_355], %mul3A_349 {strides = array<i32>} : memref<256x128xf32, #tpu.memory_space<vmem>>, vector<16xf32>,
      %mul3A_357 = arith.mulf %exp3A_281, %div3A_340 : vector<16xf32>
      %swap3A_358 = arith.constant 0 : i32
      %swap3A_359 = arith.constant 0 : i32
      %swap3A_360 = tpu.memref_slice %arg6[%scan3A_61, %swap3A_358, %swap3A_359] : memref<2x256x128xf32, #tpu.memory_space<vmem>> -> memref<1x256x128xf32, #tpu.memory_space<vmem>>
      %swap3A_361 = tpu.memref_squeeze %swap3A_360 : memref<1x256x128xf32, #tpu.memory_space<vmem>> -> memref<256x128xf32, #tpu.memory_space<vmem>>
      %swap3A_362 = arith.index_cast %add3A_257 : i32 to index
      %swap3A_363 = arith.constant 32 : index
      %swap3A_364 = tpu.vector_load %swap3A_361[%swap3A_362, %swap3A_363] {strides = array<i32>} : memref<256x128xf32, #tpu.memory_space<vmem>>, vector<16xf32>,
      tpu.vector_store %swap3A_361[%swap3A_362, %swap3A_363], %mul3A_357 {strides = array<i32>} : memref<256x128xf32, #tpu.memory_space<vmem>>, vector<16xf32>,
      %mul3A_365 = arith.mulf %exp3A_289, %div3A_340 : vector<16xf32>
      %swap3A_366 = arith.constant 0 : i32
      %swap3A_367 = arith.constant 0 : i32
      %swap3A_368 = tpu.memref_slice %arg6[%scan3A_61, %swap3A_366, %swap3A_367] : memref<2x256x128xf32, #tpu.memory_space<vmem>> -> memref<1x256x128xf32, #tpu.memory_space<vmem>>
      %swap3A_369 = tpu.memref_squeeze %swap3A_368 : memref<1x256x128xf32, #tpu.memory_space<vmem>> -> memref<256x128xf32, #tpu.memory_space<vmem>>
      %swap3A_370 = arith.index_cast %add3A_257 : i32 to index
      %swap3A_371 = arith.constant 48 : index
      %swap3A_372 = tpu.vector_load %swap3A_369[%swap3A_370, %swap3A_371] {strides = array<i32>} : memref<256x128xf32, #tpu.memory_space<vmem>>, vector<16xf32>,
      tpu.vector_store %swap3A_369[%swap3A_370, %swap3A_371], %mul3A_365 {strides = array<i32>} : memref<256x128xf32, #tpu.memory_space<vmem>>, vector<16xf32>,
      %mul3A_373 = arith.mulf %exp3A_297, %div3A_340 : vector<16xf32>
      %swap3A_374 = arith.constant 0 : i32
      %swap3A_375 = arith.constant 0 : i32
      %swap3A_376 = tpu.memref_slice %arg6[%scan3A_61, %swap3A_374, %swap3A_375] : memref<2x256x128xf32, #tpu.memory_space<vmem>> -> memref<1x256x128xf32, #tpu.memory_space<vmem>>
      %swap3A_377 = tpu.memref_squeeze %swap3A_376 : memref<1x256x128xf32, #tpu.memory_space<vmem>> -> memref<256x128xf32, #tpu.memory_space<vmem>>
      %swap3A_378 = arith.index_cast %add3A_257 : i32 to index
      %swap3A_379 = arith.constant 64 : index
      %swap3A_380 = tpu.vector_load %swap3A_377[%swap3A_378, %swap3A_379] {strides = array<i32>} : memref<256x128xf32, #tpu.memory_space<vmem>>, vector<16xf32>,
      tpu.vector_store %swap3A_377[%swap3A_378, %swap3A_379], %mul3A_373 {strides = array<i32>} : memref<256x128xf32, #tpu.memory_space<vmem>>, vector<16xf32>,
      %mul3A_381 = arith.mulf %exp3A_305, %div3A_340 : vector<16xf32>
      %swap3A_382 = arith.constant 0 : i32
      %swap3A_383 = arith.constant 0 : i32
      %swap3A_384 = tpu.memref_slice %arg6[%scan3A_61, %swap3A_382, %swap3A_383] : memref<2x256x128xf32, #tpu.memory_space<vmem>> -> memref<1x256x128xf32, #tpu.memory_space<vmem>>
      %swap3A_385 = tpu.memref_squeeze %swap3A_384 : memref<1x256x128xf32, #tpu.memory_space<vmem>> -> memref<256x128xf32, #tpu.memory_space<vmem>>
      %swap3A_386 = arith.index_cast %add3A_257 : i32 to index
      %swap3A_387 = arith.constant 80 : index
      %swap3A_388 = tpu.vector_load %swap3A_385[%swap3A_386, %swap3A_387] {strides = array<i32>} : memref<256x128xf32, #tpu.memory_space<vmem>>, vector<16xf32>,
      tpu.vector_store %swap3A_385[%swap3A_386, %swap3A_387], %mul3A_381 {strides = array<i32>} : memref<256x128xf32, #tpu.memory_space<vmem>>, vector<16xf32>,
      %mul3A_389 = arith.mulf %exp3A_313, %div3A_340 : vector<16xf32>
      %swap3A_390 = arith.constant 0 : i32
      %swap3A_391 = arith.constant 0 : i32
      %swap3A_392 = tpu.memref_slice %arg6[%scan3A_61, %swap3A_390, %swap3A_391] : memref<2x256x128xf32, #tpu.memory_space<vmem>> -> memref<1x256x128xf32, #tpu.memory_space<vmem>>
      %swap3A_393 = tpu.memref_squeeze %swap3A_392 : memref<1x256x128xf32, #tpu.memory_space<vmem>> -> memref<256x128xf32, #tpu.memory_space<vmem>>
      %swap3A_394 = arith.index_cast %add3A_257 : i32 to index
      %swap3A_395 = arith.constant 96 : index
      %swap3A_396 = tpu.vector_load %swap3A_393[%swap3A_394, %swap3A_395] {strides = array<i32>} : memref<256x128xf32, #tpu.memory_space<vmem>>, vector<16xf32>,
      tpu.vector_store %swap3A_393[%swap3A_394, %swap3A_395], %mul3A_389 {strides = array<i32>} : memref<256x128xf32, #tpu.memory_space<vmem>>, vector<16xf32>,
      %mul3A_397 = arith.mulf %exp3A_321, %div3A_340 : vector<16xf32>
      %swap3A_398 = arith.constant 0 : i32
      %swap3A_399 = arith.constant 0 : i32
      %swap3A_400 = tpu.memref_slice %arg6[%scan3A_61, %swap3A_398, %swap3A_399] : memref<2x256x128xf32, #tpu.memory_space<vmem>> -> memref<1x256x128xf32, #tpu.memory_space<vmem>>
      %swap3A_401 = tpu.memref_squeeze %swap3A_400 : memref<1x256x128xf32, #tpu.memory_space<vmem>> -> memref<256x128xf32, #tpu.memory_space<vmem>>
      %swap3A_402 = arith.index_cast %add3A_257 : i32 to index
      %swap3A_403 = arith.constant 112 : index
      %swap3A_404 = tpu.vector_load %swap3A_401[%swap3A_402, %swap3A_403] {strides = array<i32>} : memref<256x128xf32, #tpu.memory_space<vmem>>, vector<16xf32>,
      tpu.vector_store %swap3A_401[%swap3A_402, %swap3A_403], %mul3A_397 {strides = array<i32>} : memref<256x128xf32, #tpu.memory_space<vmem>>, vector<16xf32>,
      %scan3A_405 = arith.constant 2 : i32
      %scan3A_406 = arith.addi %scan3A_108, %scan3A_405 : i32
      %mul3A_407 = arith.constant 1 : i32
      %mul3A_408 = arith.muli %scan3A_406, %mul3A_407 : i32
      %add3A_409 = arith.constant 0 : i32
      %add3A_410 = arith.addi %add3A_409, %mul3A_408 : i32
      %get3A_411 = arith.constant 0 : i32
      %get3A_412 = arith.constant 0 : i32
      %get3A_413 = tpu.memref_slice %arg6[%scan3A_61, %get3A_411, %get3A_412] : memref<2x256x128xf32, #tpu.memory_space<vmem>> -> memref<1x256x128xf32, #tpu.memory_space<vmem>>
      %get3A_414 = tpu.memref_squeeze %get3A_413 : memref<1x256x128xf32, #tpu.memory_space<vmem>> -> memref<256x128xf32, #tpu.memory_space<vmem>>
      %get3A_415 = arith.index_cast %add3A_410 : i32 to index
      %get3A_416 = arith.constant 0 : index
      %get3A_417 = tpu.vector_load %get3A_414[%get3A_415, %get3A_416] {strides = array<i32>} : memref<256x128xf32, #tpu.memory_space<vmem>>, vector<16xf32>,
      %exp3A_418 = math.exp %get3A_417 : vector<16xf32>
      %get3A_419 = arith.constant 0 : i32
      %get3A_420 = arith.constant 0 : i32
      %get3A_421 = tpu.memref_slice %arg6[%scan3A_61, %get3A_419, %get3A_420] : memref<2x256x128xf32, #tpu.memory_space<vmem>> -> memref<1x256x128xf32, #tpu.memory_space<vmem>>
      %get3A_422 = tpu.memref_squeeze %get3A_421 : memref<1x256x128xf32, #tpu.memory_space<vmem>> -> memref<256x128xf32, #tpu.memory_space<vmem>>
      %get3A_423 = arith.index_cast %add3A_410 : i32 to index
      %get3A_424 = arith.constant 16 : index
      %get3A_425 = tpu.vector_load %get3A_422[%get3A_423, %get3A_424] {strides = array<i32>} : memref<256x128xf32, #tpu.memory_space<vmem>>, vector<16xf32>,
      %exp3A_426 = math.exp %get3A_425 : vector<16xf32>
      %get3A_427 = arith.constant 0 : i32
      %get3A_428 = arith.constant 0 : i32
      %get3A_429 = tpu.memref_slice %arg6[%scan3A_61, %get3A_427, %get3A_428] : memref<2x256x128xf32, #tpu.memory_space<vmem>> -> memref<1x256x128xf32, #tpu.memory_space<vmem>>
      %get3A_430 = tpu.memref_squeeze %get3A_429 : memref<1x256x128xf32, #tpu.memory_space<vmem>> -> memref<256x128xf32, #tpu.memory_space<vmem>>
      %get3A_431 = arith.index_cast %add3A_410 : i32 to index
      %get3A_432 = arith.constant 32 : index
      %get3A_433 = tpu.vector_load %get3A_430[%get3A_431, %get3A_432] {strides = array<i32>} : memref<256x128xf32, #tpu.memory_space<vmem>>, vector<16xf32>,
      %exp3A_434 = math.exp %get3A_433 : vector<16xf32>
      %get3A_435 = arith.constant 0 : i32
      %get3A_436 = arith.constant 0 : i32
      %get3A_437 = tpu.memref_slice %arg6[%scan3A_61, %get3A_435, %get3A_436] : memref<2x256x128xf32, #tpu.memory_space<vmem>> -> memref<1x256x128xf32, #tpu.memory_space<vmem>>
      %get3A_438 = tpu.memref_squeeze %get3A_437 : memref<1x256x128xf32, #tpu.memory_space<vmem>> -> memref<256x128xf32, #tpu.memory_space<vmem>>
      %get3A_439 = arith.index_cast %add3A_410 : i32 to index
      %get3A_440 = arith.constant 48 : index
      %get3A_441 = tpu.vector_load %get3A_438[%get3A_439, %get3A_440] {strides = array<i32>} : memref<256x128xf32, #tpu.memory_space<vmem>>, vector<16xf32>,
      %exp3A_442 = math.exp %get3A_441 : vector<16xf32>
      %get3A_443 = arith.constant 0 : i32
      %get3A_444 = arith.constant 0 : i32
      %get3A_445 = tpu.memref_slice %arg6[%scan3A_61, %get3A_443, %get3A_444] : memref<2x256x128xf32, #tpu.memory_space<vmem>> -> memref<1x256x128xf32, #tpu.memory_space<vmem>>
      %get3A_446 = tpu.memref_squeeze %get3A_445 : memref<1x256x128xf32, #tpu.memory_space<vmem>> -> memref<256x128xf32, #tpu.memory_space<vmem>>
      %get3A_447 = arith.index_cast %add3A_410 : i32 to index
      %get3A_448 = arith.constant 64 : index
      %get3A_449 = tpu.vector_load %get3A_446[%get3A_447, %get3A_448] {strides = array<i32>} : memref<256x128xf32, #tpu.memory_space<vmem>>, vector<16xf32>,
      %exp3A_450 = math.exp %get3A_449 : vector<16xf32>
      %get3A_451 = arith.constant 0 : i32
      %get3A_452 = arith.constant 0 : i32
      %get3A_453 = tpu.memref_slice %arg6[%scan3A_61, %get3A_451, %get3A_452] : memref<2x256x128xf32, #tpu.memory_space<vmem>> -> memref<1x256x128xf32, #tpu.memory_space<vmem>>
      %get3A_454 = tpu.memref_squeeze %get3A_453 : memref<1x256x128xf32, #tpu.memory_space<vmem>> -> memref<256x128xf32, #tpu.memory_space<vmem>>
      %get3A_455 = arith.index_cast %add3A_410 : i32 to index
      %get3A_456 = arith.constant 80 : index
      %get3A_457 = tpu.vector_load %get3A_454[%get3A_455, %get3A_456] {strides = array<i32>} : memref<256x128xf32, #tpu.memory_space<vmem>>, vector<16xf32>,
      %exp3A_458 = math.exp %get3A_457 : vector<16xf32>
      %get3A_459 = arith.constant 0 : i32
      %get3A_460 = arith.constant 0 : i32
      %get3A_461 = tpu.memref_slice %arg6[%scan3A_61, %get3A_459, %get3A_460] : memref<2x256x128xf32, #tpu.memory_space<vmem>> -> memref<1x256x128xf32, #tpu.memory_space<vmem>>
      %get3A_462 = tpu.memref_squeeze %get3A_461 : memref<1x256x128xf32, #tpu.memory_space<vmem>> -> memref<256x128xf32, #tpu.memory_space<vmem>>
      %get3A_463 = arith.index_cast %add3A_410 : i32 to index
      %get3A_464 = arith.constant 96 : index
      %get3A_465 = tpu.vector_load %get3A_462[%get3A_463, %get3A_464] {strides = array<i32>} : memref<256x128xf32, #tpu.memory_space<vmem>>, vector<16xf32>,
      %exp3A_466 = math.exp %get3A_465 : vector<16xf32>
      %get3A_467 = arith.constant 0 : i32
      %get3A_468 = arith.constant 0 : i32
      %get3A_469 = tpu.memref_slice %arg6[%scan3A_61, %get3A_467, %get3A_468] : memref<2x256x128xf32, #tpu.memory_space<vmem>> -> memref<1x256x128xf32, #tpu.memory_space<vmem>>
      %get3A_470 = tpu.memref_squeeze %get3A_469 : memref<1x256x128xf32, #tpu.memory_space<vmem>> -> memref<256x128xf32, #tpu.memory_space<vmem>>
      %get3A_471 = arith.index_cast %add3A_410 : i32 to index
      %get3A_472 = arith.constant 112 : index
      %get3A_473 = tpu.vector_load %get3A_470[%get3A_471, %get3A_472] {strides = array<i32>} : memref<256x128xf32, #tpu.memory_space<vmem>>, vector<16xf32>,
      %exp3A_474 = math.exp %get3A_473 : vector<16xf32>
      %add3A_475 = arith.addf %exp3A_418, %exp3A_426 : vector<16xf32>
      %add3A_476 = arith.addf %add3A_475, %exp3A_434 : vector<16xf32>
      %add3A_477 = arith.addf %add3A_476, %exp3A_442 : vector<16xf32>
      %add3A_478 = arith.addf %add3A_477, %exp3A_450 : vector<16xf32>
      %add3A_479 = arith.addf %add3A_478, %exp3A_458 : vector<16xf32>
      %add3A_480 = arith.addf %add3A_479, %exp3A_466 : vector<16xf32>
      %add3A_481 = arith.addf %add3A_480, %exp3A_474 : vector<16xf32>
      %broadcast_in_dim3A_482 = arith.constant true
      %broadcast_in_dim3A_483 = vector.broadcast %broadcast_in_dim3A_482 : i1 to vector<16xi1>
      %masked_cumsum3A_484 = tpu.scan <sum>, %add3A_481 masked %broadcast_in_dim3A_483 : vector<16xf32>, vector<16xi1> -> vector<16xf32>
      %slice3A_485 = vector.extract_strided_slice %masked_cumsum3A_484 {offsets = [15], sizes = [1], strides = [1]} : vector<16xf32> to vector<1xf32>
      %squeeze3A_486 = vector.extract %slice3A_485[0] : f32 from vector<1xf32>
      %broadcast_in_dim3A_487 = arith.constant 0.000000e+00 : f32
      %broadcast_in_dim3A_488 = vector.broadcast %broadcast_in_dim3A_487 : f32 to vector<16xf32>
      %add3A_489 = vector.broadcast %squeeze3A_486 : f32 to vector<16xf32>
      %add3A_490 = arith.addf %broadcast_in_dim3A_488, %add3A_489 : vector<16xf32>
      %broadcast_in_dim3A_491 = arith.constant 1.000000e+00 : f32
      %broadcast_in_dim3A_492 = vector.broadcast %broadcast_in_dim3A_491 : f32 to vector<16xf32>
      %div3A_493 = arith.divf %broadcast_in_dim3A_492, %add3A_490 : vector<16xf32>
      %mul3A_494 = arith.mulf %exp3A_418, %div3A_493 : vector<16xf32>
      %swap3A_495 = arith.constant 0 : i32
      %swap3A_496 = arith.constant 0 : i32
      %swap3A_497 = tpu.memref_slice %arg6[%scan3A_61, %swap3A_495, %swap3A_496] : memref<2x256x128xf32, #tpu.memory_space<vmem>> -> memref<1x256x128xf32, #tpu.memory_space<vmem>>
      %swap3A_498 = tpu.memref_squeeze %swap3A_497 : memref<1x256x128xf32, #tpu.memory_space<vmem>> -> memref<256x128xf32, #tpu.memory_space<vmem>>
      %swap3A_499 = arith.index_cast %add3A_410 : i32 to index
      %swap3A_500 = arith.constant 0 : index
      %swap3A_501 = tpu.vector_load %swap3A_498[%swap3A_499, %swap3A_500] {strides = array<i32>} : memref<256x128xf32, #tpu.memory_space<vmem>>, vector<16xf32>,
      tpu.vector_store %swap3A_498[%swap3A_499, %swap3A_500], %mul3A_494 {strides = array<i32>} : memref<256x128xf32, #tpu.memory_space<vmem>>, vector<16xf32>,
      %mul3A_502 = arith.mulf %exp3A_426, %div3A_493 : vector<16xf32>
      %swap3A_503 = arith.constant 0 : i32
      %swap3A_504 = arith.constant 0 : i32
      %swap3A_505 = tpu.memref_slice %arg6[%scan3A_61, %swap3A_503, %swap3A_504] : memref<2x256x128xf32, #tpu.memory_space<vmem>> -> memref<1x256x128xf32, #tpu.memory_space<vmem>>
      %swap3A_506 = tpu.memref_squeeze %swap3A_505 : memref<1x256x128xf32, #tpu.memory_space<vmem>> -> memref<256x128xf32, #tpu.memory_space<vmem>>
      %swap3A_507 = arith.index_cast %add3A_410 : i32 to index
      %swap3A_508 = arith.constant 16 : index
      %swap3A_509 = tpu.vector_load %swap3A_506[%swap3A_507, %swap3A_508] {strides = array<i32>} : memref<256x128xf32, #tpu.memory_space<vmem>>, vector<16xf32>,
      tpu.vector_store %swap3A_506[%swap3A_507, %swap3A_508], %mul3A_502 {strides = array<i32>} : memref<256x128xf32, #tpu.memory_space<vmem>>, vector<16xf32>,
      %mul3A_510 = arith.mulf %exp3A_434, %div3A_493 : vector<16xf32>
      %swap3A_511 = arith.constant 0 : i32
      %swap3A_512 = arith.constant 0 : i32
      %swap3A_513 = tpu.memref_slice %arg6[%scan3A_61, %swap3A_511, %swap3A_512] : memref<2x256x128xf32, #tpu.memory_space<vmem>> -> memref<1x256x128xf32, #tpu.memory_space<vmem>>
      %swap3A_514 = tpu.memref_squeeze %swap3A_513 : memref<1x256x128xf32, #tpu.memory_space<vmem>> -> memref<256x128xf32, #tpu.memory_space<vmem>>
      %swap3A_515 = arith.index_cast %add3A_410 : i32 to index
      %swap3A_516 = arith.constant 32 : index
      %swap3A_517 = tpu.vector_load %swap3A_514[%swap3A_515, %swap3A_516] {strides = array<i32>} : memref<256x128xf32, #tpu.memory_space<vmem>>, vector<16xf32>,
      tpu.vector_store %swap3A_514[%swap3A_515, %swap3A_516], %mul3A_510 {strides = array<i32>} : memref<256x128xf32, #tpu.memory_space<vmem>>, vector<16xf32>,
      %mul3A_518 = arith.mulf %exp3A_442, %div3A_493 : vector<16xf32>
      %swap3A_519 = arith.constant 0 : i32
      %swap3A_520 = arith.constant 0 : i32
      %swap3A_521 = tpu.memref_slice %arg6[%scan3A_61, %swap3A_519, %swap3A_520] : memref<2x256x128xf32, #tpu.memory_space<vmem>> -> memref<1x256x128xf32, #tpu.memory_space<vmem>>
      %swap3A_522 = tpu.memref_squeeze %swap3A_521 : memref<1x256x128xf32, #tpu.memory_space<vmem>> -> memref<256x128xf32, #tpu.memory_space<vmem>>
      %swap3A_523 = arith.index_cast %add3A_410 : i32 to index
      %swap3A_524 = arith.constant 48 : index
      %swap3A_525 = tpu.vector_load %swap3A_522[%swap3A_523, %swap3A_524] {strides = array<i32>} : memref<256x128xf32, #tpu.memory_space<vmem>>, vector<16xf32>,
      tpu.vector_store %swap3A_522[%swap3A_523, %swap3A_524], %mul3A_518 {strides = array<i32>} : memref<256x128xf32, #tpu.memory_space<vmem>>, vector<16xf32>,
      %mul3A_526 = arith.mulf %exp3A_450, %div3A_493 : vector<16xf32>
      %swap3A_527 = arith.constant 0 : i32
      %swap3A_528 = arith.constant 0 : i32
      %swap3A_529 = tpu.memref_slice %arg6[%scan3A_61, %swap3A_527, %swap3A_528] : memref<2x256x128xf32, #tpu.memory_space<vmem>> -> memref<1x256x128xf32, #tpu.memory_space<vmem>>
      %swap3A_530 = tpu.memref_squeeze %swap3A_529 : memref<1x256x128xf32, #tpu.memory_space<vmem>> -> memref<256x128xf32, #tpu.memory_space<vmem>>
      %swap3A_531 = arith.index_cast %add3A_410 : i32 to index
      %swap3A_532 = arith.constant 64 : index
      %swap3A_533 = tpu.vector_load %swap3A_530[%swap3A_531, %swap3A_532] {strides = array<i32>} : memref<256x128xf32, #tpu.memory_space<vmem>>, vector<16xf32>,
      tpu.vector_store %swap3A_530[%swap3A_531, %swap3A_532], %mul3A_526 {strides = array<i32>} : memref<256x128xf32, #tpu.memory_space<vmem>>, vector<16xf32>,
      %mul3A_534 = arith.mulf %exp3A_458, %div3A_493 : vector<16xf32>
      %swap3A_535 = arith.constant 0 : i32
      %swap3A_536 = arith.constant 0 : i32
      %swap3A_537 = tpu.memref_slice %arg6[%scan3A_61, %swap3A_535, %swap3A_536] : memref<2x256x128xf32, #tpu.memory_space<vmem>> -> memref<1x256x128xf32, #tpu.memory_space<vmem>>
      %swap3A_538 = tpu.memref_squeeze %swap3A_537 : memref<1x256x128xf32, #tpu.memory_space<vmem>> -> memref<256x128xf32, #tpu.memory_space<vmem>>
      %swap3A_539 = arith.index_cast %add3A_410 : i32 to index
      %swap3A_540 = arith.constant 80 : index
      %swap3A_541 = tpu.vector_load %swap3A_538[%swap3A_539, %swap3A_540] {strides = array<i32>} : memref<256x128xf32, #tpu.memory_space<vmem>>, vector<16xf32>,
      tpu.vector_store %swap3A_538[%swap3A_539, %swap3A_540], %mul3A_534 {strides = array<i32>} : memref<256x128xf32, #tpu.memory_space<vmem>>, vector<16xf32>,
      %mul3A_542 = arith.mulf %exp3A_466, %div3A_493 : vector<16xf32>
      %swap3A_543 = arith.constant 0 : i32
      %swap3A_544 = arith.constant 0 : i32
      %swap3A_545 = tpu.memref_slice %arg6[%scan3A_61, %swap3A_543, %swap3A_544] : memref<2x256x128xf32, #tpu.memory_space<vmem>> -> memref<1x256x128xf32, #tpu.memory_space<vmem>>
      %swap3A_546 = tpu.memref_squeeze %swap3A_545 : memref<1x256x128xf32, #tpu.memory_space<vmem>> -> memref<256x128xf32, #tpu.memory_space<vmem>>
      %swap3A_547 = arith.index_cast %add3A_410 : i32 to index
      %swap3A_548 = arith.constant 96 : index
      %swap3A_549 = tpu.vector_load %swap3A_546[%swap3A_547, %swap3A_548] {strides = array<i32>} : memref<256x128xf32, #tpu.memory_space<vmem>>, vector<16xf32>,
      tpu.vector_store %swap3A_546[%swap3A_547, %swap3A_548], %mul3A_542 {strides = array<i32>} : memref<256x128xf32, #tpu.memory_space<vmem>>, vector<16xf32>,
      %mul3A_550 = arith.mulf %exp3A_474, %div3A_493 : vector<16xf32>
      %swap3A_551 = arith.constant 0 : i32
      %swap3A_552 = arith.constant 0 : i32
      %swap3A_553 = tpu.memref_slice %arg6[%scan3A_61, %swap3A_551, %swap3A_552] : memref<2x256x128xf32, #tpu.memory_space<vmem>> -> memref<1x256x128xf32, #tpu.memory_space<vmem>>
      %swap3A_554 = tpu.memref_squeeze %swap3A_553 : memref<1x256x128xf32, #tpu.memory_space<vmem>> -> memref<256x128xf32, #tpu.memory_space<vmem>>
      %swap3A_555 = arith.index_cast %add3A_410 : i32 to index
      %swap3A_556 = arith.constant 112 : index
      %swap3A_557 = tpu.vector_load %swap3A_554[%swap3A_555, %swap3A_556] {strides = array<i32>} : memref<256x128xf32, #tpu.memory_space<vmem>>, vector<16xf32>,
      tpu.vector_store %swap3A_554[%swap3A_555, %swap3A_556], %mul3A_550 {strides = array<i32>} : memref<256x128xf32, #tpu.memory_space<vmem>>, vector<16xf32>,
      %scan3A_558 = arith.constant 3 : i32
      %scan3A_559 = arith.addi %scan3A_108, %scan3A_558 : i32
      %mul3A_560 = arith.constant 1 : i32
      %mul3A_561 = arith.muli %scan3A_559, %mul3A_560 : i32
      %add3A_562 = arith.constant 0 : i32
      %add3A_563 = arith.addi %add3A_562, %mul3A_561 : i32
      %get3A_564 = arith.constant 0 : i32
      %get3A_565 = arith.constant 0 : i32
      %get3A_566 = tpu.memref_slice %arg6[%scan3A_61, %get3A_564, %get3A_565] : memref<2x256x128xf32, #tpu.memory_space<vmem>> -> memref<1x256x128xf32, #tpu.memory_space<vmem>>
      %get3A_567 = tpu.memref_squeeze %get3A_566 : memref<1x256x128xf32, #tpu.memory_space<vmem>> -> memref<256x128xf32, #tpu.memory_space<vmem>>
      %get3A_568 = arith.index_cast %add3A_563 : i32 to index
      %get3A_569 = arith.constant 0 : index
      %get3A_570 = tpu.vector_load %get3A_567[%get3A_568, %get3A_569] {strides = array<i32>} : memref<256x128xf32, #tpu.memory_space<vmem>>, vector<16xf32>,
      %exp3A_571 = math.exp %get3A_570 : vector<16xf32>
      %get3A_572 = arith.constant 0 : i32
      %get3A_573 = arith.constant 0 : i32
      %get3A_574 = tpu.memref_slice %arg6[%scan3A_61, %get3A_572, %get3A_573] : memref<2x256x128xf32, #tpu.memory_space<vmem>> -> memref<1x256x128xf32, #tpu.memory_space<vmem>>
      %get3A_575 = tpu.memref_squeeze %get3A_574 : memref<1x256x128xf32, #tpu.memory_space<vmem>> -> memref<256x128xf32, #tpu.memory_space<vmem>>
      %get3A_576 = arith.index_cast %add3A_563 : i32 to index
      %get3A_577 = arith.constant 16 : index
      %get3A_578 = tpu.vector_load %get3A_575[%get3A_576, %get3A_577] {strides = array<i32>} : memref<256x128xf32, #tpu.memory_space<vmem>>, vector<16xf32>,
      %exp3A_579 = math.exp %get3A_578 : vector<16xf32>
      %get3A_580 = arith.constant 0 : i32
      %get3A_581 = arith.constant 0 : i32
      %get3A_582 = tpu.memref_slice %arg6[%scan3A_61, %get3A_580, %get3A_581] : memref<2x256x128xf32, #tpu.memory_space<vmem>> -> memref<1x256x128xf32, #tpu.memory_space<vmem>>
      %get3A_583 = tpu.memref_squeeze %get3A_582 : memref<1x256x128xf32, #tpu.memory_space<vmem>> -> memref<256x128xf32, #tpu.memory_space<vmem>>
      %get3A_584 = arith.index_cast %add3A_563 : i32 to index
      %get3A_585 = arith.constant 32 : index
      %get3A_586 = tpu.vector_load %get3A_583[%get3A_584, %get3A_585] {strides = array<i32>} : memref<256x128xf32, #tpu.memory_space<vmem>>, vector<16xf32>,
      %exp3A_587 = math.exp %get3A_586 : vector<16xf32>
      %get3A_588 = arith.constant 0 : i32
      %get3A_589 = arith.constant 0 : i32
      %get3A_590 = tpu.memref_slice %arg6[%scan3A_61, %get3A_588, %get3A_589] : memref<2x256x128xf32, #tpu.memory_space<vmem>> -> memref<1x256x128xf32, #tpu.memory_space<vmem>>
      %get3A_591 = tpu.memref_squeeze %get3A_590 : memref<1x256x128xf32, #tpu.memory_space<vmem>> -> memref<256x128xf32, #tpu.memory_space<vmem>>
      %get3A_592 = arith.index_cast %add3A_563 : i32 to index
      %get3A_593 = arith.constant 48 : index
      %get3A_594 = tpu.vector_load %get3A_591[%get3A_592, %get3A_593] {strides = array<i32>} : memref<256x128xf32, #tpu.memory_space<vmem>>, vector<16xf32>,
      %exp3A_595 = math.exp %get3A_594 : vector<16xf32>
      %get3A_596 = arith.constant 0 : i32
      %get3A_597 = arith.constant 0 : i32
      %get3A_598 = tpu.memref_slice %arg6[%scan3A_61, %get3A_596, %get3A_597] : memref<2x256x128xf32, #tpu.memory_space<vmem>> -> memref<1x256x128xf32, #tpu.memory_space<vmem>>
      %get3A_599 = tpu.memref_squeeze %get3A_598 : memref<1x256x128xf32, #tpu.memory_space<vmem>> -> memref<256x128xf32, #tpu.memory_space<vmem>>
      %get3A_600 = arith.index_cast %add3A_563 : i32 to index
      %get3A_601 = arith.constant 64 : index
      %get3A_602 = tpu.vector_load %get3A_599[%get3A_600, %get3A_601] {strides = array<i32>} : memref<256x128xf32, #tpu.memory_space<vmem>>, vector<16xf32>,
      %exp3A_603 = math.exp %get3A_602 : vector<16xf32>
      %get3A_604 = arith.constant 0 : i32
      %get3A_605 = arith.constant 0 : i32
      %get3A_606 = tpu.memref_slice %arg6[%scan3A_61, %get3A_604, %get3A_605] : memref<2x256x128xf32, #tpu.memory_space<vmem>> -> memref<1x256x128xf32, #tpu.memory_space<vmem>>
      %get3A_607 = tpu.memref_squeeze %get3A_606 : memref<1x256x128xf32, #tpu.memory_space<vmem>> -> memref<256x128xf32, #tpu.memory_space<vmem>>
      %get3A_608 = arith.index_cast %add3A_563 : i32 to index
      %get3A_609 = arith.constant 80 : index
      %get3A_610 = tpu.vector_load %get3A_607[%get3A_608, %get3A_609] {strides = array<i32>} : memref<256x128xf32, #tpu.memory_space<vmem>>, vector<16xf32>,
      %exp3A_611 = math.exp %get3A_610 : vector<16xf32>
      %get3A_612 = arith.constant 0 : i32
      %get3A_613 = arith.constant 0 : i32
      %get3A_614 = tpu.memref_slice %arg6[%scan3A_61, %get3A_612, %get3A_613] : memref<2x256x128xf32, #tpu.memory_space<vmem>> -> memref<1x256x128xf32, #tpu.memory_space<vmem>>
      %get3A_615 = tpu.memref_squeeze %get3A_614 : memref<1x256x128xf32, #tpu.memory_space<vmem>> -> memref<256x128xf32, #tpu.memory_space<vmem>>
      %get3A_616 = arith.index_cast %add3A_563 : i32 to index
      %get3A_617 = arith.constant 96 : index
      %get3A_618 = tpu.vector_load %get3A_615[%get3A_616, %get3A_617] {strides = array<i32>} : memref<256x128xf32, #tpu.memory_space<vmem>>, vector<16xf32>,
      %exp3A_619 = math.exp %get3A_618 : vector<16xf32>
      %get3A_620 = arith.constant 0 : i32
      %get3A_621 = arith.constant 0 : i32
      %get3A_622 = tpu.memref_slice %arg6[%scan3A_61, %get3A_620, %get3A_621] : memref<2x256x128xf32, #tpu.memory_space<vmem>> -> memref<1x256x128xf32, #tpu.memory_space<vmem>>
      %get3A_623 = tpu.memref_squeeze %get3A_622 : memref<1x256x128xf32, #tpu.memory_space<vmem>> -> memref<256x128xf32, #tpu.memory_space<vmem>>
      %get3A_624 = arith.index_cast %add3A_563 : i32 to index
      %get3A_625 = arith.constant 112 : index
      %get3A_626 = tpu.vector_load %get3A_623[%get3A_624, %get3A_625] {strides = array<i32>} : memref<256x128xf32, #tpu.memory_space<vmem>>, vector<16xf32>,
      %exp3A_627 = math.exp %get3A_626 : vector<16xf32>
      %add3A_628 = arith.addf %exp3A_571, %exp3A_579 : vector<16xf32>
      %add3A_629 = arith.addf %add3A_628, %exp3A_587 : vector<16xf32>
      %add3A_630 = arith.addf %add3A_629, %exp3A_595 : vector<16xf32>
      %add3A_631 = arith.addf %add3A_630, %exp3A_603 : vector<16xf32>
      %add3A_632 = arith.addf %add3A_631, %exp3A_611 : vector<16xf32>
      %add3A_633 = arith.addf %add3A_632, %exp3A_619 : vector<16xf32>
      %add3A_634 = arith.addf %add3A_633, %exp3A_627 : vector<16xf32>
      %broadcast_in_dim3A_635 = arith.constant true
      %broadcast_in_dim3A_636 = vector.broadcast %broadcast_in_dim3A_635 : i1 to vector<16xi1>
      %masked_cumsum3A_637 = tpu.scan <sum>, %add3A_634 masked %broadcast_in_dim3A_636 : vector<16xf32>, vector<16xi1> -> vector<16xf32>
      %slice3A_638 = vector.extract_strided_slice %masked_cumsum3A_637 {offsets = [15], sizes = [1], strides = [1]} : vector<16xf32> to vector<1xf32>
      %squeeze3A_639 = vector.extract %slice3A_638[0] : f32 from vector<1xf32>
      %broadcast_in_dim3A_640 = arith.constant 0.000000e+00 : f32
      %broadcast_in_dim3A_641 = vector.broadcast %broadcast_in_dim3A_640 : f32 to vector<16xf32>
      %add3A_642 = vector.broadcast %squeeze3A_639 : f32 to vector<16xf32>
      %add3A_643 = arith.addf %broadcast_in_dim3A_641, %add3A_642 : vector<16xf32>
      %broadcast_in_dim3A_644 = arith.constant 1.000000e+00 : f32
      %broadcast_in_dim3A_645 = vector.broadcast %broadcast_in_dim3A_644 : f32 to vector<16xf32>
      %div3A_646 = arith.divf %broadcast_in_dim3A_645, %add3A_643 : vector<16xf32>
      %mul3A_647 = arith.mulf %exp3A_571, %div3A_646 : vector<16xf32>
      %swap3A_648 = arith.constant 0 : i32
      %swap3A_649 = arith.constant 0 : i32
      %swap3A_650 = tpu.memref_slice %arg6[%scan3A_61, %swap3A_648, %swap3A_649] : memref<2x256x128xf32, #tpu.memory_space<vmem>> -> memref<1x256x128xf32, #tpu.memory_space<vmem>>
      %swap3A_651 = tpu.memref_squeeze %swap3A_650 : memref<1x256x128xf32, #tpu.memory_space<vmem>> -> memref<256x128xf32, #tpu.memory_space<vmem>>
      %swap3A_652 = arith.index_cast %add3A_563 : i32 to index
      %swap3A_653 = arith.constant 0 : index
      %swap3A_654 = tpu.vector_load %swap3A_651[%swap3A_652, %swap3A_653] {strides = array<i32>} : memref<256x128xf32, #tpu.memory_space<vmem>>, vector<16xf32>,
      tpu.vector_store %swap3A_651[%swap3A_652, %swap3A_653], %mul3A_647 {strides = array<i32>} : memref<256x128xf32, #tpu.memory_space<vmem>>, vector<16xf32>,
      %mul3A_655 = arith.mulf %exp3A_579, %div3A_646 : vector<16xf32>
      %swap3A_656 = arith.constant 0 : i32
      %swap3A_657 = arith.constant 0 : i32
      %swap3A_658 = tpu.memref_slice %arg6[%scan3A_61, %swap3A_656, %swap3A_657] : memref<2x256x128xf32, #tpu.memory_space<vmem>> -> memref<1x256x128xf32, #tpu.memory_space<vmem>>
      %swap3A_659 = tpu.memref_squeeze %swap3A_658 : memref<1x256x128xf32, #tpu.memory_space<vmem>> -> memref<256x128xf32, #tpu.memory_space<vmem>>
      %swap3A_660 = arith.index_cast %add3A_563 : i32 to index
      %swap3A_661 = arith.constant 16 : index
      %swap3A_662 = tpu.vector_load %swap3A_659[%swap3A_660, %swap3A_661] {strides = array<i32>} : memref<256x128xf32, #tpu.memory_space<vmem>>, vector<16xf32>,
      tpu.vector_store %swap3A_659[%swap3A_660, %swap3A_661], %mul3A_655 {strides = array<i32>} : memref<256x128xf32, #tpu.memory_space<vmem>>, vector<16xf32>,
      %mul3A_663 = arith.mulf %exp3A_587, %div3A_646 : vector<16xf32>
      %swap3A_664 = arith.constant 0 : i32
      %swap3A_665 = arith.constant 0 : i32
      %swap3A_666 = tpu.memref_slice %arg6[%scan3A_61, %swap3A_664, %swap3A_665] : memref<2x256x128xf32, #tpu.memory_space<vmem>> -> memref<1x256x128xf32, #tpu.memory_space<vmem>>
      %swap3A_667 = tpu.memref_squeeze %swap3A_666 : memref<1x256x128xf32, #tpu.memory_space<vmem>> -> memref<256x128xf32, #tpu.memory_space<vmem>>
      %swap3A_668 = arith.index_cast %add3A_563 : i32 to index
      %swap3A_669 = arith.constant 32 : index
      %swap3A_670 = tpu.vector_load %swap3A_667[%swap3A_668, %swap3A_669] {strides = array<i32>} : memref<256x128xf32, #tpu.memory_space<vmem>>, vector<16xf32>,
      tpu.vector_store %swap3A_667[%swap3A_668, %swap3A_669], %mul3A_663 {strides = array<i32>} : memref<256x128xf32, #tpu.memory_space<vmem>>, vector<16xf32>,
      %mul3A_671 = arith.mulf %exp3A_595, %div3A_646 : vector<16xf32>
      %swap3A_672 = arith.constant 0 : i32
      %swap3A_673 = arith.constant 0 : i32
      %swap3A_674 = tpu.memref_slice %arg6[%scan3A_61, %swap3A_672, %swap3A_673] : memref<2x256x128xf32, #tpu.memory_space<vmem>> -> memref<1x256x128xf32, #tpu.memory_space<vmem>>
      %swap3A_675 = tpu.memref_squeeze %swap3A_674 : memref<1x256x128xf32, #tpu.memory_space<vmem>> -> memref<256x128xf32, #tpu.memory_space<vmem>>
      %swap3A_676 = arith.index_cast %add3A_563 : i32 to index
      %swap3A_677 = arith.constant 48 : index
      %swap3A_678 = tpu.vector_load %swap3A_675[%swap3A_676, %swap3A_677] {strides = array<i32>} : memref<256x128xf32, #tpu.memory_space<vmem>>, vector<16xf32>,
      tpu.vector_store %swap3A_675[%swap3A_676, %swap3A_677], %mul3A_671 {strides = array<i32>} : memref<256x128xf32, #tpu.memory_space<vmem>>, vector<16xf32>,
      %mul3A_679 = arith.mulf %exp3A_603, %div3A_646 : vector<16xf32>
      %swap3A_680 = arith.constant 0 : i32
      %swap3A_681 = arith.constant 0 : i32
      %swap3A_682 = tpu.memref_slice %arg6[%scan3A_61, %swap3A_680, %swap3A_681] : memref<2x256x128xf32, #tpu.memory_space<vmem>> -> memref<1x256x128xf32, #tpu.memory_space<vmem>>
      %swap3A_683 = tpu.memref_squeeze %swap3A_682 : memref<1x256x128xf32, #tpu.memory_space<vmem>> -> memref<256x128xf32, #tpu.memory_space<vmem>>
      %swap3A_684 = arith.index_cast %add3A_563 : i32 to index
      %swap3A_685 = arith.constant 64 : index
      %swap3A_686 = tpu.vector_load %swap3A_683[%swap3A_684, %swap3A_685] {strides = array<i32>} : memref<256x128xf32, #tpu.memory_space<vmem>>, vector<16xf32>,
      tpu.vector_store %swap3A_683[%swap3A_684, %swap3A_685], %mul3A_679 {strides = array<i32>} : memref<256x128xf32, #tpu.memory_space<vmem>>, vector<16xf32>,
      %mul3A_687 = arith.mulf %exp3A_611, %div3A_646 : vector<16xf32>
      %swap3A_688 = arith.constant 0 : i32
      %swap3A_689 = arith.constant 0 : i32
      %swap3A_690 = tpu.memref_slice %arg6[%scan3A_61, %swap3A_688, %swap3A_689] : memref<2x256x128xf32, #tpu.memory_space<vmem>> -> memref<1x256x128xf32, #tpu.memory_space<vmem>>
      %swap3A_691 = tpu.memref_squeeze %swap3A_690 : memref<1x256x128xf32, #tpu.memory_space<vmem>> -> memref<256x128xf32, #tpu.memory_space<vmem>>
      %swap3A_692 = arith.index_cast %add3A_563 : i32 to index
      %swap3A_693 = arith.constant 80 : index
      %swap3A_694 = tpu.vector_load %swap3A_691[%swap3A_692, %swap3A_693] {strides = array<i32>} : memref<256x128xf32, #tpu.memory_space<vmem>>, vector<16xf32>,
      tpu.vector_store %swap3A_691[%swap3A_692, %swap3A_693], %mul3A_687 {strides = array<i32>} : memref<256x128xf32, #tpu.memory_space<vmem>>, vector<16xf32>,
      %mul3A_695 = arith.mulf %exp3A_619, %div3A_646 : vector<16xf32>
      %swap3A_696 = arith.constant 0 : i32
      %swap3A_697 = arith.constant 0 : i32
      %swap3A_698 = tpu.memref_slice %arg6[%scan3A_61, %swap3A_696, %swap3A_697] : memref<2x256x128xf32, #tpu.memory_space<vmem>> -> memref<1x256x128xf32, #tpu.memory_space<vmem>>
      %swap3A_699 = tpu.memref_squeeze %swap3A_698 : memref<1x256x128xf32, #tpu.memory_space<vmem>> -> memref<256x128xf32, #tpu.memory_space<vmem>>
      %swap3A_700 = arith.index_cast %add3A_563 : i32 to index
      %swap3A_701 = arith.constant 96 : index
      %swap3A_702 = tpu.vector_load %swap3A_699[%swap3A_700, %swap3A_701] {strides = array<i32>} : memref<256x128xf32, #tpu.memory_space<vmem>>, vector<16xf32>,
      tpu.vector_store %swap3A_699[%swap3A_700, %swap3A_701], %mul3A_695 {strides = array<i32>} : memref<256x128xf32, #tpu.memory_space<vmem>>, vector<16xf32>,
      %mul3A_703 = arith.mulf %exp3A_627, %div3A_646 : vector<16xf32>
      %swap3A_704 = arith.constant 0 : i32
      %swap3A_705 = arith.constant 0 : i32
      %swap3A_706 = tpu.memref_slice %arg6[%scan3A_61, %swap3A_704, %swap3A_705] : memref<2x256x128xf32, #tpu.memory_space<vmem>> -> memref<1x256x128xf32, #tpu.memory_space<vmem>>
      %swap3A_707 = tpu.memref_squeeze %swap3A_706 : memref<1x256x128xf32, #tpu.memory_space<vmem>> -> memref<256x128xf32, #tpu.memory_space<vmem>>
      %swap3A_708 = arith.index_cast %add3A_563 : i32 to index
      %swap3A_709 = arith.constant 112 : index
      %swap3A_710 = tpu.vector_load %swap3A_707[%swap3A_708, %swap3A_709] {strides = array<i32>} : memref<256x128xf32, #tpu.memory_space<vmem>>, vector<16xf32>,
      tpu.vector_store %swap3A_707[%swap3A_708, %swap3A_709], %mul3A_703 {strides = array<i32>} : memref<256x128xf32, #tpu.memory_space<vmem>>, vector<16xf32>,
    }
    %scan3A_66 = arith.constant 256 : i32
    %add3A_67 = arith.constant 256 : i32
    %add3A_68 = arith.addi %mul3A_2, %add3A_67 : i32
    %dma_start3A_69 = arith.constant 1 : i32
    %dma_start3A_70 = arith.constant 0 : i32
    %dma_start3A_71 = arith.constant 0 : i32
    %dma_start3A_72 = tpu.memref_slice %arg6[%dma_start3A_69, %dma_start3A_70, %dma_start3A_71] : memref<2x256x128xf32, #tpu.memory_space<vmem>> -> memref<1x256x128xf32, #tpu.memory_space<vmem>>
    %dma_start3A_73 = tpu.memref_squeeze %dma_start3A_72 : memref<1x256x128xf32, #tpu.memory_space<vmem>> -> memref<256x128xf32, #tpu.memory_space<vmem>>
    %dma_start3A_74 = arith.constant 0 : i32
    %dma_start3A_75 = tpu.memref_slice %arg4[%add3A_68, %dma_start3A_74] : memref<16384x128xf32, #tpu.memory_space<hbm>> -> memref<256x128xf32, #tpu.memory_space<hbm>>
    %dma_start3A_76 = arith.constant 0 : i32
    %dma_start3A_77 = tpu.memref_slice %arg4[%add3A_68, %dma_start3A_76] : memref<16384x128xf32, #tpu.memory_space<hbm>> -> memref<256x128xf32, #tpu.memory_space<hbm>>
    %dma_start3A_78 = arith.constant 0 : i32
    %dma_start3A_79 = arith.constant 0 : i32
    %dma_start3A_80 = tpu.memref_slice %arg6[%dma_start3A_69, %dma_start3A_78, %dma_start3A_79] : memref<2x256x128xf32, #tpu.memory_space<vmem>> -> memref<1x256x128xf32, #tpu.memory_space<vmem>>
    %dma_start3A_81 = tpu.memref_squeeze %dma_start3A_80 : memref<1x256x128xf32, #tpu.memory_space<vmem>> -> memref<256x128xf32, #tpu.memory_space<vmem>>
    tpu.enqueue_dma source(%dma_start3A_81 : memref<256x128xf32, #tpu.memory_space<vmem>>) target(%dma_start3A_77 : memref<256x128xf32, #tpu.memory_space<hbm>>) target_semaphore(%arg8 : memref<!tpu.dma_semaphore, #tpu.memory_space<semaphore_mem>>)
    %dma_wait3A_82 = arith.constant 0 : i32
    %dma_wait3A_83 = arith.constant 0 : i32
    %dma_wait3A_84 = arith.constant 0 : i32
    %dma_wait3A_85 = tpu.memref_slice %arg6[%dma_wait3A_82, %dma_wait3A_83, %dma_wait3A_84] : memref<2x256x128xf32, #tpu.memory_space<vmem>> -> memref<1x256x128xf32, #tpu.memory_space<vmem>>
    %dma_wait3A_86 = tpu.memref_squeeze %dma_wait3A_85 : memref<1x256x128xf32, #tpu.memory_space<vmem>> -> memref<256x128xf32, #tpu.memory_space<vmem>>
    %dma_wait3A_87 = arith.constant 0 : i32
    %dma_wait3A_88 = tpu.memref_slice %arg4[%add3A_37, %dma_wait3A_87] : memref<16384x128xf32, #tpu.memory_space<hbm>> -> memref<256x128xf32, #tpu.memory_space<hbm>>
    %dma_wait3A_89 = arith.constant 0 : i32
    %dma_wait3A_90 = tpu.memref_slice %arg4[%add3A_37, %dma_wait3A_89] : memref<16384x128xf32, #tpu.memory_space<hbm>> -> memref<256x128xf32, #tpu.memory_space<hbm>>
    %dma_wait3A_91 = arith.constant 0 : i32
    %dma_wait3A_92 = arith.constant 0 : i32
    %dma_wait3A_93 = tpu.memref_slice %arg6[%dma_wait3A_82, %dma_wait3A_91, %dma_wait3A_92] : memref<2x256x128xf32, #tpu.memory_space<vmem>> -> memref<1x256x128xf32, #tpu.memory_space<vmem>>
    %dma_wait3A_94 = tpu.memref_squeeze %dma_wait3A_93 : memref<1x256x128xf32, #tpu.memory_space<vmem>> -> memref<256x128xf32, #tpu.memory_space<vmem>>
    tpu.wait_dma2 semaphore(%arg8 : memref<!tpu.dma_semaphore, #tpu.memory_space<semaphore_mem>>) src(%dma_wait3A_94 : memref<256x128xf32, #tpu.memory_space<vmem>>) dst(%dma_wait3A_90 : memref<256x128xf32, #tpu.memory_space<hbm>>)
    %dma_wait3A_95 = arith.constant 1 : i32
    %dma_wait3A_96 = arith.constant 0 : i32
    %dma_wait3A_97 = arith.constant 0 : i32
    %dma_wait3A_98 = tpu.memref_slice %arg6[%dma_wait3A_95, %dma_wait3A_96, %dma_wait3A_97] : memref<2x256x128xf32, #tpu.memory_space<vmem>> -> memref<1x256x128xf32, #tpu.memory_space<vmem>>
    %dma_wait3A_99 = tpu.memref_squeeze %dma_wait3A_98 : memref<1x256x128xf32, #tpu.memory_space<vmem>> -> memref<256x128xf32, #tpu.memory_space<vmem>>
    %dma_wait3A_100 = arith.constant 0 : i32
    %dma_wait3A_101 = tpu.memref_slice %arg4[%add3A_68, %dma_wait3A_100] : memref<16384x128xf32, #tpu.memory_space<hbm>> -> memref<256x128xf32, #tpu.memory_space<hbm>>
    %dma_wait3A_102 = arith.constant 0 : i32
    %dma_wait3A_103 = tpu.memref_slice %arg4[%add3A_68, %dma_wait3A_102] : memref<16384x128xf32, #tpu.memory_space<hbm>> -> memref<256x128xf32, #tpu.memory_space<hbm>>
    %dma_wait3A_104 = arith.constant 0 : i32
    %dma_wait3A_105 = arith.constant 0 : i32
    %dma_wait3A_106 = tpu.memref_slice %arg6[%dma_wait3A_95, %dma_wait3A_104, %dma_wait3A_105] : memref<2x256x128xf32, #tpu.memory_space<vmem>> -> memref<1x256x128xf32, #tpu.memory_space<vmem>>
    %dma_wait3A_107 = tpu.memref_squeeze %dma_wait3A_106 : memref<1x256x128xf32, #tpu.memory_space<vmem>> -> memref<256x128xf32, #tpu.memory_space<vmem>>
    tpu.wait_dma2 semaphore(%arg8 : memref<!tpu.dma_semaphore, #tpu.memory_space<semaphore_mem>>) src(%dma_wait3A_107 : memref<256x128xf32, #tpu.memory_space<vmem>>) dst(%dma_wait3A_103 : memref<256x128xf32, #tpu.memory_space<hbm>>)
    return
  }
}

</mosaic_0001>

<sc_bundles>
// kernel: _softmax_gather.3.cloned.1.call-start
scs
__scs_entry_jumppad:
0x0: {  	(pc) =	sbr.rel $0x88, $3  }
0x1: {  	(tag) =	ssettag $0x0;
	lr =	simm.s32 $0x1  }
0x2: {  	[smem:$0x3F9F] =	sst lr;
	_ =	strace $0xD0000000  }
0x3: {  	_ = 	snop  }
0x4: {  	_ = 	snop  }
0x5: {  	_ = 	snop  }
0x6: {  	_ = 	snop  }
0x7: {  	_ = 	snop  }
__scs_overlays_trampoline_lowered:
0x8: {  	[smem:$0x3FAE] =	sst s0  }
0x9: {  	[smem:$0x3FAF] =	sst s1  }
0xa: {  	[smem:$0x3FB0] =	sst s2  }
0xb: {  	[smem:$0x3FB1] =	sst s3  }
0xc: {  	[smem:$0x3FB2] =	sst s4  }
0xd: {  	[smem:$0x3FB3] =	sst s5  }
0xe: {  	[smem:$0x3FB4] =	sst s6  }
0xf: {  	[smem:$0x3FB5] =	sst s7  }
0x10: {  	[smem:$0x3FB6] =	sst s8  }
0x11: {  	[smem:$0x3FB7] =	sst s9;
	s0 =	simm.s32 @!p0 $0x0  }
0x12: {  	s1 =	sld [smem:$0x3F9D];
	s0 =	simm.s32 @p0 $0x1  }
0x13: {  	[smem:$0x3FB8] =	sst s0;
	s0 =	simm.s32 @!p1 $0x0  }
0x14: {  	s2 =	sld [smem:$0x3F9C];
	s0 =	simm.s32 @p1 $0x1  }
0x15: {  	[smem:$0x3FB9] =	sst s0;
	s0 =	simm.s32 @!p2 $0x0  }
0x16: {  	s3 =	sld [smem:$0x3FDB];
	s0 =	simm.s32 @p2 $0x1  }
0x17: {  	s4 =	simm.s32 $0x1BF5;
	[smem:$0x3FBB] =	sst s0  }
0x18: {  	s0 =	sld [smem:$0x3F9E];
	_ =	swait.ge [sflag:s4], $0x0  }
0x19: {  	s7 =	sld [smem:$0x3F9F]  }
0x1a: {  	s8 =	sadd.s32 $0xFFFFE003, lr  }
0x1b: {  	s9 =	sadd.s32 $0xFFFFFEF7, lr;
	s5 =	simm.s32 $0xFFFFFFFF;
	p2 =	slt.u32 s8, $0xFFFFF086  }
0x1c: {  	p1 =	slt.u32 s9, $0xF7A;
	s5 =	simm.s32 @!p2 $0x0  }
0x1d: {  	s5 =	simm.s32 @p1 $0x1;
	p0 =	seq.s32 s7, s2  }
0x1e: {  	s7 =	smul.u32 @!p0 $0xF7A, s2;
	p2 =	seq.s32 @!p0 s5, $0x0  }
0x1f: {  	s9 =	smul.u32 $0xF7A, s1;
	s8 =	simm.s32 @!p0 $0x1BF5;
	p2 =	por !p2, p0  }
0x20: {  	[sflag:s8] =	ssyncset.s32 @!p0 $0xFFFFF086;
	s6 =	sadd.s32 @!p0 s3, s7;
	s7 =	simm.s32 @!p0 $0x108  }
0x21: {  	s3 =	sadd.s32 s3, s9;
	s6 =	sadd.s32 @!p0 $0x88, s6;
	s7 =	simm.s32 @p2 $0x1082  }
0x22: {  	[simem:s7], [sflag:s8] =	dma.local @!p0 [hbm:s6], $0xF7A  }
0x23: {  	s9 =	sor.u32 $0xD0000000, s2;
	s6 =	simm.s32 $0x108;
	_ =	swait.ge @!p0 [sflag:s8], $0x0  }
0x24: {  	s3 =	sadd.s32 $0x88, s3;
	s6 =	simm.s32 @!p1 $0x1082;
	[sflag:s4] =	ssyncset.s32 $0xFFFFF086  }
0x25: {  	[simem:s6], [sflag:s4] =	dma.local [hbm:s3], $0xF7A  }
0x26: {  	[smem:$0x3F9F] =	sst s1;
	(tag) =	ssettag s2;
	_ =	strace s9  }
0x27: {  	s1 =	sld [smem:$0x3FAF]  }
0x28: {  	s2 =	sld [smem:$0x3FB0]  }
0x29: {  	s4 =	sld [smem:$0x3FB2]  }
0x2a: {  	p0 =	seq.s32 s5, $0x0;
	s5 =	sld [smem:$0x3FB3]  }
0x2b: {  	s6 =	sld [smem:$0x3FB4]  }
0x2c: {  	s7 =	sld [smem:$0x3FB5]  }
0x2d: {  	s3 =	simm.s32 $0x108;
	s8 =	sld [smem:$0x3FB6]  }
0x2e: {  	s3 =	simm.s32 @!p0 $0x1082;
	s9 =	sld [smem:$0x3FB7]  }
0x2f: {  	lr =	sadd.s32 s0, s3;
	s0 =	sld [smem:$0x3FAE]  }
0x30: {  	s3 =	sld [smem:$0x3FB1]  }
0x31: {  	[smem:$0x3FBA] =	sst s10  }
0x32: {  	s10 =	sld [smem:$0x3FB8];
	_ =	sdelay $0x3  }
0x33: {  	p0 =	seq.s32 s10, $0x1;
	s10 =	sld [smem:$0x3FBA];
	_ =	sdelay $0x3  }
0x34: {  	[smem:$0x3FBA] =	sst s10  }
0x35: {  	s10 =	sld [smem:$0x3FB9];
	_ =	sdelay $0x3  }
0x36: {  	p1 =	seq.s32 s10, $0x1;
	s10 =	sld [smem:$0x3FBA];
	_ =	sdelay $0x3  }
0x37: {  	[smem:$0x3FBA] =	sst s10  }
0x38: {  	s10 =	sld [smem:$0x3FBB]  }
0x39: {  	_ = 	snop;
	(pc) =	sbr.ind lr, $3  }
0x3a: {  	_ = 	snop  }
0x3b: {  	_ = 	snop  }
0x3c: {  	p2 =	seq.s32 s10, $0x1;
	s10 =	sld [smem:$0x3FBA]  }
0x3d: {  	_ =	shalt  }
0x3e: {  	_ =	shalt  }
0x3f: {  	_ =	shalt  }
0x40: {  	_ =	shalt  }
0x41: {  	_ =	shalt  }
0x42: {  	_ =	shalt  }
0x43: {  	_ =	shalt  }
0x44: {  	_ =	shalt  }
0x45: {  	_ =	shalt  }
0x46: {  	_ =	shalt  }
0x47: {  	_ =	shalt  }
0x48: {  	_ =	shalt  }
0x49: {  	_ =	shalt  }
0x4a: {  	_ =	shalt  }
0x4b: {  	_ =	shalt  }
0x4c: {  	_ =	shalt  }
0x4d: {  	_ =	shalt  }
0x4e: {  	_ =	shalt  }
0x4f: {  	_ =	shalt  }
0x50: {  	_ =	shalt  }
0x51: {  	_ =	shalt  }
0x52: {  	_ =	shalt  }
0x53: {  	_ =	shalt  }
0x54: {  	_ =	shalt  }
0x55: {  	_ =	shalt  }
0x56: {  	_ =	shalt  }
0x57: {  	_ =	shalt  }
0x58: {  	_ =	shalt  }
0x59: {  	_ =	shalt  }
0x5a: {  	_ =	shalt  }
0x5b: {  	_ =	shalt  }
0x5c: {  	_ =	shalt  }
0x5d: {  	_ =	shalt  }
0x5e: {  	_ =	shalt  }
0x5f: {  	_ =	shalt  }
0x60: {  	_ =	shalt  }
0x61: {  	_ =	shalt  }
0x62: {  	_ =	shalt  }
0x63: {  	_ =	shalt  }
0x64: {  	_ =	shalt  }
0x65: {  	_ =	shalt  }
0x66: {  	_ =	shalt  }
0x67: {  	_ =	shalt  }
0x68: {  	_ =	shalt  }
0x69: {  	_ =	shalt  }
0x6a: {  	_ =	shalt  }
0x6b: {  	_ =	shalt  }
0x6c: {  	_ =	shalt  }
0x6d: {  	_ =	shalt  }
0x6e: {  	_ =	shalt  }
0x6f: {  	_ =	shalt  }
0x70: {  	_ =	shalt  }
0x71: {  	_ =	shalt  }
0x72: {  	_ =	shalt  }
0x73: {  	_ =	shalt  }
0x74: {  	_ =	shalt  }
0x75: {  	_ =	shalt  }
0x76: {  	_ =	shalt  }
0x77: {  	_ =	shalt  }
0x78: {  	_ =	shalt  }
0x79: {  	_ =	shalt  }
0x7a: {  	_ =	shalt  }
0x7b: {  	_ =	shalt  }
0x7c: {  	_ =	shalt  }
0x7d: {  	_ =	shalt  }
0x7e: {  	_ =	shalt  }
0x7f: {  	_ =	shalt  }
0x80: {  	_ =	shalt  }
0x81: {  	_ =	shalt  }
0x82: {  	_ =	shalt  }
0x83: {  	_ =	shalt  }
0x84: {  	_ =	shalt  }
0x85: {  	_ =	shalt  }
0x86: {  	_ =	shalt  }
0x87: {  	_ =	shalt  }
.Lfunc_end0:
.L_simem_size_0:
called_computation_lowered:
.L_overlay_start_0:
0x88: {  	s2 =	sld [smem:$0x3FD9]  }
0x89: {  	s3 =	sld [smem:$0x3FFE];
	_ =	sdelay $0x1  }
0x8a: {  	s1 =	srdreg.scid  }
0x8b: {  	s0 =	sand.u32 $0x1, s1  }
0x8c: {  	s18 =	sshll.u32 s0, $0xA;
	s2 =	sadd.s32 s3, s2  }
0x8d: {  	s2 =	sadd.s32 s2, s18  }
0x8e: {  	[smem:$0x3FC6] =	sst s2  }
0x8f: {  	_ = 	snop  }
0x90: {  	s2 =	sld [smem:$0x3FC9]  }
0x91: {  	s19 =	sld [smem:$0x3FC8]  }
0x92: {  	s4 =	sld [smem:$0x3FD0];
	(tm) =	ssettm $0x1  }
0x93: {  	s5 =	sld [smem:$0x3FFB];
	_ =	sdelay $0x3  }
0x94: {  	_ =	strace s5  }
0x95: {  	s5 =	sld [smem:$0x3FFC];
	_ =	sdelay $0x3  }
0x96: {  	_ =	strace s5  }
0x97: {  	s5 =	sld [smem:$0x3FFD];
	_ =	sdelay $0x3  }
0x98: {  	_ =	strace s5  }
0x99: {  	_ =	strace $0x8FFFFFFF  }
0x9a: {  	s20 =	sld [smem:$0x3FDB];
	_ =	sdelay $0x1  }
0x9b: {  	s6 =	simm.s32 $_scs_section_size  }
0x9c: {  	s7 =	simm.s32 $_size__tile_overlayer_lowered;
	s8 =	simm.s32 $_tile_overlayer_lowered  }
0x9d: {  	s23 =	simm.s32 $0x1BFF;
	s22 =	sshll.u32 s8, $0x1;
	s5 =	sadd.s32 s6, s20  }
0x9e: {  	s9 =	simm.s32 $0x0;
	s21 =	sshll.u32 s7, $0x1;
	s7 =	sadd.s32 s22, s5  }
0x9f: {  	[timem:s9], [sflag:s23] =	dma.local [hbm:s7], s21  }
0xa0: {  	_ =	swait.ge [sflag:s23], s21  }
0xa1: {  	s6 =	ssub.s32 $0x0, s21;
	[sflag:s23] =	ssyncset.done $0x0  }
0xa2: {  	[sflag:s23] =	ssyncadd.s32 s6;
	_ =	sdelay $0x1  }
0xa3: {  	s24 =	simm.s32 $0x1B8B  }
0xa4: {  	_ =	swait.ge [sflag:s24], $0x1  }
0xa5: {  	[sflag:s24] =	ssyncset.done $0x0  }
0xa6: {  	s25 =	simm.s32 $0x1B8E;
	[sflag:s24] =	ssyncadd.s32 $0xFFFFFFFF  }
0xa7: {  	s26 =	simm.s32 $execute0_lowered;
	[smem:$0x3FD2] =	sst s25  }
0xa8: {  	s6 =	sshll.u32 s26, $0x1;
	_ =	strace $0x80000046;
	[dreg:$0x1] =	wrdreg $0xFFFFFFFF  }
0xa9: {  	s28 =	simm.s32 $_size_execute0_lowered;
	s5 =	sadd.s32 s5, s6;
	[dreg:$0x0] =	wrdreg $0x0  }
0xaa: {  	s6 =	sshll.u32 s28, $0x1;
	[dreg:$0x2] =	wrdreg s5  }
0xab: {  	[dreg:$0x3] =	wrdreg s6  }
0xac: {  	[dreg:$0x4] =	wrdreg $0xC0  }
0xad: {  	_ =	task [dreg:s9], $0x5FFFF  }
0xae: {  	[dreg:$0x1] =	wrdreg $0xFFFFFFFF  }
0xaf: {  	[dreg:$0x0] =	wrdreg $0x60  }
0xb0: {  	[dreg:$0x2] =	wrdreg s2  }
0xb1: {  	[dreg:$0x3] =	wrdreg s19  }
0xb2: {  	[dreg:$0x4] =	wrdreg s4  }
0xb3: {  	[dreg:$0x5] =	wrdreg $0x9  }
0xb4: {  	_ =	task.clear_ibuf [dreg:s9], $0x6FFFF;
	_ =	strace $0x90000046  }
0xb5: {  	s29 =	simm.s32 $0x9;
	_ =	strace $0x80000048  }
0xb6: {  	_ =	swait.ge [sflag:s29], $0x1  }
0xb7: {  	[sflag:s29] =	ssyncadd.s32 $0xFFFFFFFF  }
0xb8: {  	_ =	strace $0x90000048  }
0xb9: {  	_ =	sfence  }
0xba: {  	s30 =	sld [smem:$0x0];
	_ =	sdelay $0x2  }
0xbb: {  	s31 =	sshll.u32 s1, $0xD;
	s1 =	sshrl.u32 s1, $0x2  }
0xbc: {  	s3 =	sand.u32 $0x4000, s31;
	s1 =	sadd.s32 s1, s30  }
0xbd: {  	s0 =	sor.u32 s3, s0;
	s1 =	sshll.u32 s1, $0x11  }
0xbe: {  	s0 =	sor.u32 s1, s0  }
0xbf: {  	s0 =	sadd.s32 $0x8F2B, s0  }
0xc0: {  	[sflag:s0] =	ssyncadd.remote.s32 $0x1  }
0xc1: {  	_ =	sfence.sel $0xFFFF  }
0xc2: {  	[dreg:$0x0] =	wrdreg $0xFFFFFFFF;
	(pc) =	sbr.abs _section_cstart, $3  }
0xc3: {  	[dreg:$0x1] =	wrdreg $0xFFFFFFFF  }
0xc4: {  	_ =	task.clear_ibuf [dreg:s9], $0x2FFFF;
	_ =	strace $0x9FFFFFFF  }
0xc5: {  	(tm) =	ssettm $0x7FFFFFFF  }
tec
execute0_lowered:
.L_overlay_start_1:
0x0: {  	(tag) =	ssettag $0x1  }
0x1: {  	s4 =	rddreg [dreg:$0x0]  }
0x2: {  	s1 =	rddreg [dreg:$0x1]  }
0x3: {  	s5 =	rddreg [dreg:$0x2]  }
0x4: {  	s0 =	rddreg [dreg:$0x3];
	s6 =	srdreg.scid  }
0x5: {  	s3 =	simm.s32 $0x0;
	s2 =	stileid.u32;
	s10 =	simm.s32 $0x200  }
0x6: {  	s11 =	simm.s32 $0x8200;
	s12 =	simm.s32 $0x1;
	s13 =	simm.s32 $0x2  }
0x7: {  	s14 =	simm.s32 $0x0;
	s6 =	sand.u32 $0x1, s6;
	[smem:$0x7FF] =	sst s3  }
0x8: {  	s7 =	sshll.u32 s2, $0xA;
	s8 =	sshll.u32 s6, $0x9;
	s6 =	ssub.s32 $0x2, s6  }
0x9: {  	_ =	strace $0x80000047;
	s7 =	sor.u32 s8, s7;
	s31 =	sshrl.u32 s6, $0x1  }
0xa: {  	s9 =	sshrl.u32 s7, $0x3;
	s7 =	sshll.u32 s7, $0x4;
	s8 =	ssub.s32 s6, s31  }
0xb: {  	s4 =	sadd.s32 s4, s9;
	s5 =	sadd.s32 s5, s7;
	s7 =	smax.u32 s8, $0x1  }
0xc: {  	s8 =	simm.s32 $0x3;
	s9 =	simm.s32 $0x100;
	s6 =	sadd.s32 $0x1000, s5  }
.LBB2_1:
0xd: {  	[tilespmem:s3], [sflag:$0x3] =	stream.linear.gather [hbm4b:s4+s3], $0x200, $0x38;
	[tilespmem:$0x10200] =	vst v63  }
0xe: {  	_ =	swait.ge [sflag:s8], $0x200  }
0xf: {  	[sflag:s8] =	ssyncset.done $0x0  }
0x10: {  	[sflag:s8] =	ssyncadd.s32 $0xFFFFFE00  }
0x11: {  	[tilespmem:s10], [sflag:$0x1] =	stream.indirect.gather [hbm4b:s1+s9], $0x80, s3, s9, $0xb8;
	[tilespmem:$0x10200] =	vst v63  }
0x12: {  	_ = 	snop  }
0x13: {  	[tilespmem:s11], [sflag:$0x1] =	stream.indirect.gather [hbm4b:s1+s9], $0x80, s9, s9, $0xb8;
	[tilespmem:$0x10200] =	vst v63  }
0x14: {  	_ =	swait.ge [sflag:s12], $0x8000  }
0x15: {  	[sflag:s12] =	ssyncset.done $0x0  }
0x16: {  	s15 =	simm.s32 $0x300;
	[sflag:s12] =	ssyncadd.s32 $0xFFFF8000  }
0x17: {  	v0 =	vld [tilespmem:s15+$0xC0]  }
0x18: {  	v1 =	vld [tilespmem:s15+$0xD0]  }
0x19: {  	v4 =	vld [tilespmem:s15+$0x20]  }
0x1a: {  	v2 =	vld [tilespmem:s15+$0xB0]  }
0x1b: {  	v3 =	vld [tilespmem:s15+$0xA0]  }
0x1c: {  	v6 =	vld [tilespmem:s15+$0x90]  }
0x1d: {  	v5 =	vld [tilespmem:s15+$0xFFFFFF90];
	v0 =	vmul.f32 $1.442695020e+00, v0  }
0x1e: {  	v7 =	vld [tilespmem:s15+$0x80];
	v1 =	vmul.f32 $1.442695020e+00, v1;
	v4 =	vmul.f32 $1.442695020e+00, v4  }
0x1f: {  	(erf) = vpow2.f32 v0;
	v0 =	vmul.f32 $1.442695020e+00, v2;
	v2 =	vld [tilespmem:s15+$0xFFFFFF00]  }
0x20: {  	(erf) = vpow2.f32 v1;
	v1 =	vmul.f32 $1.442695020e+00, v3;
	v3 =	vld [tilespmem:s15+$0x10]  }
0x21: {  	v6 =	vmul.f32 $1.442695020e+00, v6;
	(erf) = vpow2.f32 v0  }
0x22: {  	v0 =	vld [tilespmem:s15+$0xE0];
	(erf) = vpow2.f32 v1;
	v1 =	vmul.f32 $1.442695020e+00, v5  }
0x23: {  	v7 =	vmul.f32 $1.442695020e+00, v7;
	(erf) = vpow2.f32 v4  }
0x24: {  	v5 =	vld [tilespmem:s15+$0x50];
	(erf) = vpow2.f32 v1;
	v1 =	vmul.f32 $1.442695020e+00, v2  }
0x25: {  	v4 =	vld [tilespmem:s15+$0x0];
	(erf) = vpow2.f32 v6;
	v2 =	vmul.f32 $1.442695020e+00, v3  }
0x26: {  	v8 =	vld [tilespmem:s15+$0xFFFFFF80];
	(erf) = vpow2.f32 v7  }
0x27: {  	v6 =	vld [tilespmem:s15+$0xFFFFFF10];
	v7 =	vmul.f32 $1.442695020e+00, v0  }
0x28: {  	v3 =	vld [tilespmem:s15+$0x40];
	(erf) = vpow2.f32 v1;
	v0 =	vpop (erf)  }
0x29: {  	v9 =	vld [tilespmem:s15+$0xFFFFFF60];
	v1 =	vmul.f32 $1.442695020e+00, v5;
	(erf) = vpow2.f32 v2;
	v2 =	vpop (erf)  }
0x2a: {  	v12 =	vld [tilespmem:s15+$0xFFFFFF40];
	v4 =	vmul.f32 $1.442695020e+00, v4;
	(erf) = vpow2.f32 v7;
	v5 =	vpop (erf)  }
0x2b: {  	v10 =	vld [tilespmem:s15+$0x30];
	v8 =	vmul.f32 $1.442695020e+00, v8;
	(erf) = vpow2.f32 v1;
	v7 =	vpop (erf)  }
0x2c: {  	(erf) = vpow2.f32 v4;
	v4 =	vmul.f32 $1.442695020e+00, v6;
	v6 =	vpop (erf)  }
0x2d: {  	v13 =	vld [tilespmem:s15+$0xF0];
	v3 =	vmul.f32 $1.442695020e+00, v3;
	v1 =	vpop (erf)  }
0x2e: {  	v14 =	vld [tilespmem:s15+$0xFFFFFF20];
	v9 =	vmul.f32 $1.442695020e+00, v9;
	(erf) = vpow2.f32 v8;
	v11 =	vpop (erf)  }
0x2f: {  	v16 =	vmul.f32 $1.442695020e+00, v12;
	v8 =	vld [tilespmem:s15+$0xFFFFFF30];
	(erf) = vpow2.f32 v3;
	v12 =	vpop (erf)  }
0x30: {  	v15 =	vld [tilespmem:s15+$0xFFFFFFA0];
	v10 =	vmul.f32 $1.442695020e+00, v10;
	(erf) = vpow2.f32 v4;
	v17 =	vadd.f32 v11, v12  }
0x31: {  	v4 =	vld [tilespmem:s15+$0x60];
	(erf) = vpow2.f32 v9  }
0x32: {  	v13 =	vmul.f32 $1.442695020e+00, v13;
	v9 =	vld [tilespmem:s15+$0x70];
	v3 =	vpop (erf);
	(erf) = vpow2.f32 v10;
	v17 =	vadd.f32 v7, v17  }
0x33: {  	v18 =	vld [tilespmem:s15+$0xFFFFFFB0];
	v10 =	vmul.f32 $1.442695020e+00, v14;
	(erf) = vpow2.f32 v16;
	v14 =	vpop (erf)  }
0x34: {  	v20 =	vld [tilespmem:s15+$0xFFFFFF50];
	v8 =	vmul.f32 $1.442695020e+00, v8;
	v23 =	vpop (erf);
	(erf) = vpow2.f32 v13  }
0x35: {  	v13 =	vmul.f32 $1.442695020e+00, v15;
	(erf) = vpow2.f32 v10;
	v16 =	vpop (erf)  }
0x36: {  	v21 =	vld [tilespmem:s15+$0xFFFFFFC0];
	v10 =	vmul.f32 $1.442695020e+00, v4;
	v15 =	vadd.f32 v5, v17;
	(erf) = vpow2.f32 v8;
	v17 =	vpop (erf)  }
0x37: {  	v8 =	vmul.f32 $1.442695020e+00, v9;
	(erf) = vpow2.f32 v13;
	v13 =	vld [tilespmem:s15+$0xFFFFFF70];
	v4 =	vpop (erf)  }
0x38: {  	v18 =	vmul.f32 $1.442695020e+00, v18;
	v15 =	vadd.f32 v0, v15;
	v19 =	vpop (erf);
	(erf) = vpow2.f32 v10  }
0x39: {  	v20 =	vmul.f32 $1.442695020e+00, v20;
	v9 =	vpop (erf);
	(erf) = vpow2.f32 v8  }
0x3a: {  	v8 =	vadd.f32 v2, v15;
	v15 =	vadd.f32 v14, v17;
	v10 =	vpop (erf);
	(erf) = vpow2.f32 v18  }
0x3b: {  	(erf) = vpow2.f32 v20;
	v26 =	vpop (erf)  }
0x3c: {  	v20 =	vmul.f32 $1.442695020e+00, v21;
	v13 =	vmul.f32 $1.442695020e+00, v13;
	v21 =	vadd.f32 v6, v15;
	v18 =	vpop (erf)  }
0x3d: {  	v22 =	vadd.f32 v9, v3;
	v8 =	vadd.f32 v23, v8;
	v28 =	vpop (erf)  }
0x3e: {  	v21 =	vadd.f32 v26, v21;
	v15 =	vpop (erf)  }
0x3f: {  	(erf) = vpow2.f32 v20;
	v8 =	vadd.f32 v28, v8;
	v22 =	vadd.f32 v15, v22  }
0x40: {  	(erf) = vpow2.f32 v13;
	v13 =	vpop (erf)  }
0x41: {  	(xrf2) =	vadd.scan.msk.f32 $0xffff, v8;
	v8 =	vadd.f32 v19, v21;
	v21 =	vadd.f32 v13, v22  }
0x42: {  	v24 =	vld [tilespmem:s15+$0xFFFFFFD0];
	v20 =	vpop (erf)  }
0x43: {  	v30 =	vpop (erf);
	v22 =	vld [tilespmem:s15+$0xFFFFFFE0]  }
0x44: {  	v31 =	vpop (erf)  }
0x45: {  	v32 =	vld [tilespmem:s15+$0xFFFFFFF0];
	v25 =	vadd.f32 v16, v8;
	v27 =	vadd.f32 v18, v21;
	v21 =	vpop (erf)  }
0x46: {  	v8 =	vpop (erf)  }
0x47: {  	v24 =	vmul.f32 $1.442695020e+00, v24;
	v25 =	vadd.f32 v30, v25;
	v27 =	vadd.f32 v8, v27  }
0x48: {  	v33 =	vmul.f32 $1.442695020e+00, v22  }
0x49: {  	v25 =	vadd.f32 v31, v25;
	v22 =	vpop (erf);
	(erf) = vpow2.f32 v24;
	v27 =	vadd.f32 v10, v27  }
0x4a: {  	v24 =	vmul.f32 $1.442695020e+00, v32;
	v29 =	vpop (erf)  }
0x4b: {  	(erf) = vpow2.f32 v33;
	(xrf2) =	vadd.scan.msk.f32 $0xffff, v25;
	v61, _, _ =	vpop (xrf2);
	v25 =	vadd.f32 v29, v27;
	v27 =	vadd.f32 v1, v4  }
0x4c: {  	(erf) = vpow2.f32 v24;
	v24 =	vadd.f32 $0.0e+00, v61  }
0x4d: {  	(xrf2) =	vadd.scan.msk.f32 $0xffff, v25;
	v25 =	vadd.f32 v20, v27  }
0x4e: {  	v24 =	vbroadcast v24, $0xF  }
0x4f: {  	v25 =	vadd.f32 v21, v25;
	_ =	sdelay $0x1  }
0x50: {  	v25 =	vadd.f32 v22, v25  }
0x51: {  	(erf) = vrcp.f32 v24;
	v24 =	vpop (erf)  }
0x52: {  	v27 =	vadd.f32 v24, v25;
	_ =	sdelay $0x1  }
0x53: {  	v25 =	vpop (erf)  }
0x54: {  	v63 =	vadd.f32 v25, v27  }
0x55: {  	v27 =	vpop (erf)  }
0x56: {  	v33 =	vadd.f32 v27, v63  }
0x57: {  	v62, _, _ =	vpop (xrf2)  }
0x58: {  	v34, _, _ =	vpop (xrf2);
	(xrf2) =	vadd.scan.msk.f32 $0xffff, v33;
	_ =	sdelay $0x1  }
0x59: {  	v32 =	vadd.f32 $0.0e+00, v62;
	_ =	sdelay $0x1  }
0x5a: {  	v32 =	vbroadcast v32, $0xF;
	_ =	sdelay $0x1  }
0x5b: {  	(erf) = vrcp.f32 v32  }
0x5c: {  	v34 =	vadd.f32 $0.0e+00, v34;
	_ =	sdelay $0x1  }
0x5d: {  	s17 =	simm.s32 $0x0;
	s16 =	simm.s32 $0x300;
	v32 =	vpop (erf);
	v33 =	vbroadcast v34, $0xF  }
.LBB2_2:
0x5e: {  	s17 =	sadd.s32 $0x4, s17;
	v2 =	vmul.f32 v32, v2;
	s15 =	sadd.s32 $0x200, s15;
	v34, _, _ =	vpop (xrf2)  }
0x5f: {  	v11 =	vmul.f32 v32, v11;
	p0 =	slt.u32 s17, $0xFC;
	v34 =	vadd.f32 $0.0e+00, v34  }
0x60: {  	v0 =	vmul.f32 v32, v0;
	[tilespmem:s16+$0xD0] =	vst v2;
	(erf) = vrcp.f32 v33  }
0x61: {  	v23 =	vmul.f32 v32, v23;
	v33 =	vbroadcast v34, $0xF  }
0x62: {  	v7 =	vmul.f32 v32, v7;
	v5 =	vmul.f32 v32, v5;
	[tilespmem:s16+$0xC0] =	vst v0  }
0x63: {  	v12 =	vmul.f32 v32, v12;
	v0 =	vld [tilespmem:s15+$0xC0];
	[tilespmem:s16+$0xE0] =	vst v23;
	(erf) = vrcp.f32 v33;
	v2 =	vpop (erf)  }
0x64: {  	v23 =	vld [tilespmem:s15+$0xD0];
	v14 =	vmul.f32 v2, v14;
	v6 =	vmul.f32 v2, v6;
	[tilespmem:s16+$0xB0] =	vst v5  }
0x65: {  	v17 =	vmul.f32 v2, v17;
	v16 =	vmul.f32 v2, v16;
	v5 =	vld [tilespmem:s15+$0xE0];
	[tilespmem:s16+$0xA0] =	vst v7  }
0x66: {  	v19 =	vmul.f32 v2, v19;
	v7 =	vmul.f32 v2, v26;
	[tilespmem:s16+$0x80] =	vst v12  }
0x67: {  	v12 =	vld [tilespmem:s15+$0x80];
	[tilespmem:s16+$0x10] =	vst v14;
	v14 =	vmul.f32 v2, v30;
	v2 =	vmul.f32 v2, v31  }
0x68: {  	v26 =	vld [tilespmem:s15+$0x10];
	v0 =	vmul.f32 $1.442695020e+00, v0;
	[tilespmem:s16+$0x90] =	vst v11  }
0x69: {  	v31 =	vmul.f32 v32, v28;
	v11 =	vld [tilespmem:s15+$0xB0];
	v23 =	vmul.f32 $1.442695020e+00, v23;
	[tilespmem:s16+$0x20] =	vst v6;
	v28 =	vpop (erf)  }
0x6a: {  	v30 =	vld [tilespmem:s15+$0xA0];
	(erf) = vpow2.f32 v0;
	v0 =	vmul.f32 v28, v3;
	[tilespmem:s16+$0x70] =	vst v2  }
0x6b: {  	v3 =	vmul.f32 v28, v18;
	v2 =	vld [tilespmem:s15+$0x90];
	(erf) = vpow2.f32 v23;
	[tilespmem:s16+$0x50] =	vst v16  }
0x6c: {  	v9 =	vmul.f32 v28, v9;
	v10 =	vmul.f32 v28, v10;
	v16 =	vld [tilespmem:s15+$0x20];
	[tilespmem:s16+$0xF0] =	vst v31;
	v6 =	vpop (erf)  }
0x6d: {  	v18 =	vmul.f32 v28, v29;
	v1 =	vmul.f32 v6, v1;
	[tilespmem:s16+$0x0] =	vst v17  }
0x6e: {  	v15 =	vmul.f32 v28, v15;
	v17 =	vld [tilespmem:s15+$0x50];
	v11 =	vmul.f32 $1.442695020e+00, v11;
	[tilespmem:s16+$0x30] =	vst v7  }
0x6f: {  	v13 =	vmul.f32 v28, v13;
	v7 =	vmul.f32 $1.442695020e+00, v30;
	[tilespmem:s16+$0x60] =	vst v14  }
0x70: {  	v14 =	vld [tilespmem:s15+$0x0];
	v23 =	vmul.f32 $1.442695020e+00, v2;
	v2 =	vmul.f32 v6, v20;
	[tilespmem:s16+$0x40] =	vst v19  }
0x71: {  	v12 =	vmul.f32 $1.442695020e+00, v12;
	v4 =	vmul.f32 v6, v4;
	[tilespmem:s16+$0xFFFFFF90] =	vst v1  }
0x72: {  	v19 =	vmul.f32 v6, v21;
	v16 =	vmul.f32 $1.442695020e+00, v16;
	v1 =	vld [tilespmem:s15+$0xFFFFFF90];
	[tilespmem:s16+$0xFFFFFF00] =	vst v0  }
0x73: {  	v22 =	vmul.f32 v6, v22;
	v21 =	vmul.f32 $1.442695020e+00, v26;
	v20 =	vld [tilespmem:s15+$0xFFFFFF00];
	v0 =	vpop (erf);
	[tilespmem:s16+$0xFFFFFFA0] =	vst v2  }
0x74: {  	v26 =	vld [tilespmem:s15+$0xFFFFFFA0];
	(erf) = vpow2.f32 v11;
	v2 =	vpop (erf);
	[tilespmem:s16+$0xFFFFFF40] =	vst v3;
	v3 =	vmul.f32 v6, v24  }
0x75: {  	v11 =	vmul.f32 $1.442695020e+00, v14;
	v14 =	vld [tilespmem:s15+$0x30];
	[tilespmem:s16+$0xFFFFFF80] =	vst v4;
	v4 =	vmul.f32 v6, v25  }
0x76: {  	v6 =	vmul.f32 v6, v27;
	v24 =	vld [tilespmem:s15+$0x70];
	(erf) = vpow2.f32 v7;
	[tilespmem:s16+$0xFFFFFFB0] =	vst v19  }
0x77: {  	v7 =	vmul.f32 $1.442695020e+00, v17;
	v1 =	vmul.f32 $1.442695020e+00, v1;
	v19 =	vld [tilespmem:s15+$0x40];
	[tilespmem:s16+$0xFFFFFF10] =	vst v9  }
0x78: {  	v9 =	vmul.f32 $1.442695020e+00, v20;
	v17 =	vld [tilespmem:s15+$0xFFFFFF80];
	(erf) = vpow2.f32 v16;
	[tilespmem:s16+$0xFFFFFF60] =	vst v10  }
0x79: {  	v10 =	vld [tilespmem:s15+$0xFFFFFF40];
	v20 =	vmul.f32 $1.442695020e+00, v26;
	(erf) = vpow2.f32 v1;
	[tilespmem:s16+$0xFFFFFF70] =	vst v18  }
0x7a: {  	v14 =	vmul.f32 $1.442695020e+00, v14;
	v1 =	vld [tilespmem:s15+$0x60];
	(erf) = vpow2.f32 v23;
	[tilespmem:s16+$0xFFFFFF20] =	vst v15  }
0x7b: {  	v8 =	vmul.f32 v28, v8;
	v15 =	vld [tilespmem:s15+$0xFFFFFF10];
	(erf) = vpow2.f32 v12;
	[tilespmem:s16+$0xFFFFFFC0] =	vst v22  }
0x7c: {  	v16 =	vmul.f32 $1.442695020e+00, v5;
	v12 =	vld [tilespmem:s15+$0xFFFFFF60];
	(erf) = vpow2.f32 v9;
	[tilespmem:s16+$0xFFFFFFE0] =	vst v4  }
0x7d: {  	v4 =	vmul.f32 $1.442695020e+00, v17;
	(erf) = vpow2.f32 v21;
	v5 =	vpop (erf);
	[tilespmem:s16+$0xFFFFFFD0] =	vst v3  }
0x7e: {  	v9 =	vmul.f32 $1.442695020e+00, v10;
	v3 =	vld [tilespmem:s15+$0xFFFFFF70];
	(erf) = vpow2.f32 v16;
	[tilespmem:s16+$0xFFFFFFF0] =	vst v6  }
0x7f: {  	v10 =	vmul.f32 $1.442695020e+00, v1;
	(erf) = vpow2.f32 v7;
	v7 =	vpop (erf);
	[tilespmem:s16+$0xFFFFFF50] =	vst v8  }
0x80: {  	v8 =	vmul.f32 $1.442695020e+00, v19;
	v16 =	vld [tilespmem:s15+$0xF0];
	(erf) = vpow2.f32 v11;
	[tilespmem:s16+$0xFFFFFF30] =	vst v13;
	s16 =	smov.u32 s15  }
0x81: {  	v17 =	vmul.f32 $1.442695020e+00, v15;
	v13 =	vld [tilespmem:s15+$0xFFFFFF20];
	(erf) = vpow2.f32 v4;
	v6 =	vpop (erf)  }
0x82: {  	v18 =	vmul.f32 $1.442695020e+00, v12;
	v4 =	vld [tilespmem:s15+$0xFFFFFF30];
	v1 =	vpop (erf);
	(erf) = vpow2.f32 v8  }
0x83: {  	v15 =	vmul.f32 $1.442695020e+00, v24;
	v8 =	vld [tilespmem:s15+$0xFFFFFFD0];
	(erf) = vpow2.f32 v17;
	v11 =	vpop (erf)  }
0x84: {  	v21 =	vmul.f32 $1.442695020e+00, v3;
	(erf) = vpow2.f32 v18;
	v12 =	vpop (erf)  }
0x85: {  	v18 =	vld [tilespmem:s15+$0xFFFFFF50];
	v24 =	vmul.f32 $1.442695020e+00, v16;
	v17 =	vadd.f32 v11, v12;
	v3 =	vpop (erf);
	(erf) = vpow2.f32 v14  }
0x86: {  	v13 =	vmul.f32 $1.442695020e+00, v13;
	v19 =	vld [tilespmem:s15+$0xFFFFFFB0];
	(erf) = vpow2.f32 v9;
	v14 =	vpop (erf)  }
0x87: {  	v25 =	vmul.f32 $1.442695020e+00, v4;
	v9 =	vadd.f32 v7, v17;
	v23 =	vpop (erf);
	(erf) = vpow2.f32 v24  }
0x88: {  	v22 =	vld [tilespmem:s15+$0xFFFFFFC0];
	(erf) = vpow2.f32 v13;
	v16 =	vpop (erf)  }
0x89: {  	v8 =	vmul.f32 $1.442695020e+00, v8;
	v27 =	vadd.f32 v5, v9;
	(erf) = vpow2.f32 v25;
	v17 =	vpop (erf)  }
0x8a: {  	v13 =	vmul.f32 $1.442695020e+00, v18;
	v18 =	vadd.f32 v14, v17;
	v4 =	vpop (erf);
	(erf) = vpow2.f32 v20  }
0x8b: {  	v20 =	vmul.f32 $1.442695020e+00, v19;
	v24 =	vld [tilespmem:s15+$0xFFFFFFE0];
	v19 =	vpop (erf);
	(erf) = vpow2.f32 v10  }
0x8c: {  	v25 =	vadd.f32 v1, v4;
	v27 =	vadd.f32 v0, v27;
	v9 =	vpop (erf);
	(erf) = vpow2.f32 v15  }
0x8d: {  	v30 =	vadd.f32 v6, v18;
	v15 =	vmul.f32 $1.442695020e+00, v22;
	v10 =	vpop (erf);
	(erf) = vpow2.f32 v20  }
0x8e: {  	v22 =	vadd.f32 v2, v27;
	v20 =	vld [tilespmem:s15+$0xFFFFFFF0];
	(erf) = vpow2.f32 v13;
	v26 =	vpop (erf)  }
0x8f: {  	v29 =	vadd.f32 v9, v3;
	v27 =	vadd.f32 v26, v30;
	v18 =	vpop (erf);
	(erf) = vpow2.f32 v15  }
0x90: {  	v22 =	vadd.f32 v23, v22;
	v24 =	vmul.f32 $1.442695020e+00, v24;
	(erf) = vpow2.f32 v21;
	v28 =	vpop (erf)  }
0x91: {  	v21 =	vadd.f32 v19, v27;
	v15 =	vpop (erf);
	(erf) = vpow2.f32 v8  }
0x92: {  	v22 =	vadd.f32 v28, v22;
	v8 =	vadd.f32 v15, v29;
	v13 =	vpop (erf);
	(erf) = vpow2.f32 v24  }
0x93: {  	v24 =	vmul.f32 $1.442695020e+00, v20;
	v29 =	vadd.f32 v16, v21;
	v20 =	vpop (erf)  }
0x94: {  	v32 =	vadd.f32 v13, v8;
	v30 =	vpop (erf);
	(xrf2) =	vadd.scan.msk.f32 $0xffff, v22  }
0x95: {  	v33 =	vadd.f32 v20, v25;
	v31 =	vpop (erf)  }
0x96: {  	v27 =	vadd.f32 v30, v29;
	v25 =	vadd.f32 v18, v32;
	v21 =	vpop (erf);
	(erf) = vpow2.f32 v24  }
0x97: {  	v34 =	vadd.f32 v21, v33;
	v8 =	vpop (erf)  }
0x98: {  	v27 =	vadd.f32 v31, v27;
	v35 =	vadd.f32 v8, v25;
	v22 =	vpop (erf)  }
0x99: {  	v32 =	vadd.f32 v22, v34;
	v29 =	vpop (erf)  }
0x9a: {  	v33 =	vadd.f32 v10, v35;
	v24 =	vpop (erf);
	(xrf2) =	vadd.scan.msk.f32 $0xffff, v27  }
0x9b: {  	v34 =	vadd.f32 v24, v32;
	v25 =	vpop (erf)  }
0x9c: {  	v32 =	vadd.f32 v29, v33  }
0x9d: {  	v33 =	vadd.f32 v25, v34  }
0x9e: {  	(xrf2) =	vadd.scan.msk.f32 $0xffff, v32;
	v27, _, _ =	vpop (xrf2)  }
0x9f: {  	v32 =	vadd.f32 $0.0e+00, v27;
	v27 =	vpop (erf)  }
0xa0: {  	v33 =	vadd.f32 v27, v33  }
0xa1: {  	v34 =	vbroadcast v32, $0xF;
	_ =	sdelay $0x1  }
0xa2: {  	(xrf2) =	vadd.scan.msk.f32 $0xffff, v33;
	(erf) = vrcp.f32 v34  }
0xa3: {  	v32, _, _ =	vpop (xrf2)  }
0xa4: {  	v32 =	vadd.f32 $0.0e+00, v32;
	_ =	sdelay $0x1  }
0xa5: {  	v32 =	vbroadcast v32, $0xF  }
.Ltmp0:
0xa6: {  	v33, _, _ =	vpop (xrf2);
	(pc) =	sbr.rel @p0 .LBB2_2-.Ltmp0, $3  }
0xa7: {  	v33 =	vadd.f32 $0.0e+00, v33;
	(erf) = vrcp.f32 v32;
	_ =	sdelay $0x1  }
0xa8: {  	v33 =	vbroadcast v33, $0xF  }
0xa9: {  	v32 =	vpop (erf)  }
0xaa: {  	v2 =	vmul.f32 v32, v2  }
0xab: {  	v0 =	vmul.f32 v32, v0  }
0xac: {  	v34, _, _ =	vpop (xrf2);
	v5 =	vmul.f32 v32, v5;
	[tilespmem:s16+$0xD0] =	vst v2  }
0xad: {  	v7 =	vmul.f32 v32, v7;
	v34 =	vadd.f32 $0.0e+00, v34;
	[tilespmem:s16+$0xC0] =	vst v0  }
0xae: {  	v2 =	vmul.f32 v32, v23;
	[tilespmem:s16+$0xB0] =	vst v5  }
0xaf: {  	[tilespmem:s16+$0xA0] =	vst v7;
	v5 =	vmul.f32 v32, v11;
	v0 =	vbroadcast v34, $0xF  }
0xb0: {  	(erf) = vrcp.f32 v33;
	[tilespmem:s16+$0xE0] =	vst v2;
	v2 =	vmul.f32 v32, v12;
	v12 =	vpop (erf)  }
0xb1: {  	[tilespmem:s16+$0x90] =	vst v5;
	(erf) = vrcp.f32 v0;
	v0 =	vmul.f32 v12, v14  }
0xb2: {  	[tilespmem:s16+$0x80] =	vst v2;
	v2 =	vmul.f32 v12, v6  }
0xb3: {  	v5 =	vmul.f32 v12, v16;
	[tilespmem:s16+$0x10] =	vst v0  }
0xb4: {  	v0 =	vmul.f32 v12, v31;
	[tilespmem:s16+$0x20] =	vst v2  }
0xb5: {  	v2 =	vmul.f32 v32, v28;
	[tilespmem:s16+$0x50] =	vst v5  }
0xb6: {  	v5 =	vmul.f32 v12, v26;
	[tilespmem:s16+$0x70] =	vst v0  }
0xb7: {  	v0 =	vmul.f32 v12, v17;
	[tilespmem:s16+$0xF0] =	vst v2  }
0xb8: {  	v2 =	vmul.f32 v12, v30;
	[tilespmem:s16+$0x30] =	vst v5  }
0xb9: {  	v6 =	vpop (erf);
	[tilespmem:s16+$0x0] =	vst v0;
	v0 =	vmul.f32 v12, v19  }
0xba: {  	[tilespmem:s16+$0x60] =	vst v2;
	v2 =	vmul.f32 v6, v3;
	v7 =	vpop (erf)  }
0xbb: {  	[tilespmem:s16+$0x40] =	vst v0;
	v1 =	vmul.f32 v7, v1  }
0xbc: {  	[tilespmem:s16+$0xFFFFFF00] =	vst v2;
	v0 =	vmul.f32 v7, v20  }
0xbd: {  	v2 =	vmul.f32 v7, v4;
	[tilespmem:s16+$0xFFFFFF90] =	vst v1  }
0xbe: {  	v1 =	vmul.f32 v6, v18;
	[tilespmem:s16+$0xFFFFFFA0] =	vst v0  }
0xbf: {  	v0 =	vmul.f32 v7, v21;
	[tilespmem:s16+$0xFFFFFF80] =	vst v2  }
0xc0: {  	v2 =	vmul.f32 v6, v10;
	[tilespmem:s16+$0xFFFFFF40] =	vst v1  }
0xc1: {  	v1 =	vmul.f32 v6, v9;
	[tilespmem:s16+$0xFFFFFFB0] =	vst v0  }
0xc2: {  	v0 =	vmul.f32 v6, v29;
	[tilespmem:s16+$0xFFFFFF60] =	vst v2  }
0xc3: {  	v2 =	vmul.f32 v7, v22;
	[tilespmem:s16+$0xFFFFFF10] =	vst v1  }
0xc4: {  	v1 =	vmul.f32 v6, v15;
	[tilespmem:s16+$0xFFFFFF70] =	vst v0  }
0xc5: {  	v0 =	vmul.f32 v7, v25;
	[tilespmem:s16+$0xFFFFFFC0] =	vst v2  }
0xc6: {  	v2 =	vmul.f32 v7, v27;
	[tilespmem:s16+$0xFFFFFF20] =	vst v1  }
0xc7: {  	v1 =	vmul.f32 v7, v24;
	[tilespmem:s16+$0xFFFFFFE0] =	vst v0  }
0xc8: {  	v0 =	vmul.f32 v6, v8;
	[tilespmem:s16+$0xFFFFFFF0] =	vst v2  }
0xc9: {  	[tilespmem:s16+$0xFFFFFFD0] =	vst v1;
	v1 =	vmul.f32 v6, v13  }
0xca: {  	[tilespmem:s16+$0xFFFFFF50] =	vst v0  }
0xcb: {  	[tilespmem:s16+$0xFFFFFF30] =	vst v1  }
0xcc: {  	[hbm4b:s5+s3] =	stream.linear.scatter [tilespmem:s10], [sflag:$0x2], $0x8000, $0x38;
	[tilespmem:$0x10200] =	vst v63  }
0xcd: {  	_ =	swait.ge [sflag:s12], $0x8000  }
0xce: {  	[sflag:s12] =	ssyncset.done $0x0  }
0xcf: {  	s15 =	simm.s32 $0x8200;
	[sflag:s12] =	ssyncadd.s32 $0xFFFF8000  }
0xd0: {  	v0 =	vld [tilespmem:s15+$0x1C0]  }
0xd1: {  	v1 =	vld [tilespmem:s15+$0x1B0]  }
0xd2: {  	v2 =	vld [tilespmem:s15+$0x1F0]  }
0xd3: {  	v3 =	vld [tilespmem:s15+$0x130]  }
0xd4: {  	v4 =	vld [tilespmem:s15+$0x1A0]  }
0xd5: {  	v5 =	vld [tilespmem:s15+$0x190];
	v0 =	vmul.f32 $1.442695020e+00, v0  }
0xd6: {  	v6 =	vld [tilespmem:s15+$0x1E0];
	v1 =	vmul.f32 $1.442695020e+00, v1  }
0xd7: {  	v7 =	vld [tilespmem:s15+$0x180];
	v2 =	vmul.f32 $1.442695020e+00, v2;
	(erf) = vpow2.f32 v0  }
0xd8: {  	v0 =	vmul.f32 $1.442695020e+00, v3;
	(erf) = vpow2.f32 v1  }
0xd9: {  	v1 =	vmul.f32 $1.442695020e+00, v4;
	(erf) = vpow2.f32 v2  }
0xda: {  	v2 =	vmul.f32 $1.442695020e+00, v5;
	(erf) = vpow2.f32 v0  }
0xdb: {  	v0 =	vmul.f32 $1.442695020e+00, v6;
	(erf) = vpow2.f32 v1  }
0xdc: {  	v1 =	vmul.f32 $1.442695020e+00, v7;
	(erf) = vpow2.f32 v2;
	v2 =	vld [tilespmem:s15+$0x1D0]  }
0xdd: {  	(erf) = vpow2.f32 v0;
	v0 =	vld [tilespmem:s15+$0x110]  }
0xde: {  	(erf) = vpow2.f32 v1;
	v1 =	vld [tilespmem:s15+$0x160]  }
0xdf: {  	v3 =	vld [tilespmem:s15+$0x100]  }
0xe0: {  	v9 =	vld [tilespmem:s15+$0xA0]  }
0xe1: {  	v4 =	vld [tilespmem:s15+$0x120];
	v26 =	vpop (erf);
	v2 =	vmul.f32 $1.442695020e+00, v2  }
0xe2: {  	v5 =	vld [tilespmem:s15+$0x90];
	v24 =	vpop (erf);
	v7 =	vmul.f32 $1.442695020e+00, v0  }
0xe3: {  	v6 =	vld [tilespmem:s15+$0x80];
	v28 =	vpop (erf);
	(erf) = vpow2.f32 v2;
	v2 =	vmul.f32 $1.442695020e+00, v1  }
0xe4: {  	v8 =	vld [tilespmem:s15+$0x140];
	v3 =	vmul.f32 $1.442695020e+00, v3;
	v0 =	vpop (erf);
	(erf) = vpow2.f32 v7  }
0xe5: {  	v25 =	vpop (erf);
	v7 =	vld [tilespmem:s15+$0xD0];
	(erf) = vpow2.f32 v2  }
0xe6: {  	v4 =	vmul.f32 $1.442695020e+00, v4;
	v1 =	vpop (erf);
	(erf) = vpow2.f32 v3;
	v3 =	vld [tilespmem:s15+$0xF0]  }
0xe7: {  	v9 =	vmul.f32 $1.442695020e+00, v9;
	v2 =	vmul.f32 $1.442695020e+00, v5;
	v29 =	vpop (erf)  }
0xe8: {  	v6 =	vmul.f32 $1.442695020e+00, v6;
	v5 =	vld [tilespmem:s15+$0xB0];
	v31 =	vpop (erf);
	(erf) = vpow2.f32 v4  }
0xe9: {  	v4 =	vmul.f32 $1.442695020e+00, v8;
	v10 =	vadd.f32 v1, v31;
	(erf) = vpow2.f32 v2  }
0xea: {  	v8 =	vld [tilespmem:s15+$0xE0];
	(erf) = vpow2.f32 v6;
	v6 =	vmul.f32 $1.442695020e+00, v7  }
0xeb: {  	v2 =	vld [tilespmem:s15+$0xC0];
	v10 =	vadd.f32 v25, v10;
	(erf) = vpow2.f32 v4;
	v3 =	vmul.f32 $1.442695020e+00, v3  }
0xec: {  	v4 =	vld [tilespmem:s15+$0x30];
	(erf) = vpow2.f32 v9  }
0xed: {  	v5 =	vmul.f32 $1.442695020e+00, v5;
	v9 =	vld [tilespmem:s15+$0x150];
	v7 =	vadd.f32 v24, v10;
	v30 =	vpop (erf);
	(erf) = vpow2.f32 v6  }
0xee: {  	v12 =	vld [tilespmem:s15+$0x40];
	v6 =	vpop (erf);
	(erf) = vpow2.f32 v3  }
0xef: {  	v13 =	vld [tilespmem:s15+$0x170];
	v10 =	vmul.f32 $1.442695020e+00, v8;
	v7 =	vadd.f32 v26, v7;
	v3 =	vpop (erf);
	(erf) = vpow2.f32 v5  }
0xf0: {  	v2 =	vmul.f32 $1.442695020e+00, v2;
	v8 =	vpop (erf)  }
0xf1: {  	v4 =	vmul.f32 $1.442695020e+00, v4;
	v5 =	vadd.f32 v30, v7;
	(erf) = vpow2.f32 v10;
	v7 =	vld [tilespmem:s15+$0x60];
	v11 =	vpop (erf)  }
0xf2: {  	(erf) = vpow2.f32 v2;
	v2 =	vmul.f32 $1.442695020e+00, v9;
	v9 =	vld [tilespmem:s15+$0x10];
	v16 =	vpop (erf)  }
0xf3: {  	v12 =	vmul.f32 $1.442695020e+00, v12;
	v5 =	vadd.f32 v29, v5;
	v18 =	vpop (erf)  }
0xf4: {  	v10 =	vld [tilespmem:s15+$0x0];
	(erf) = vpow2.f32 v4;
	v4 =	vmul.f32 $1.442695020e+00, v13;
	v13 =	vpop (erf)  }
0xf5: {  	(erf) = vpow2.f32 v2;
	v5 =	vadd.f32 v28, v5;
	v14 =	vadd.f32 v16, v18;
	v17 =	vpop (erf)  }
0xf6: {  	v2 =	vld [tilespmem:s15+$0x20];
	(erf) = vpow2.f32 v12;
	v7 =	vmul.f32 $1.442695020e+00, v7;
	v22 =	vpop (erf)  }
0xf7: {  	(erf) = vpow2.f32 v4;
	(xrf2) =	vadd.scan.msk.f32 $0xffff, v5;
	v4 =	vmul.f32 $1.442695020e+00, v9;
	v5 =	vadd.f32 v17, v14;
	v12 =	vpop (erf)  }
0xf8: {  	v9 =	vadd.f32 v6, v8;
	(erf) = vpow2.f32 v7;
	v27 =	vpop (erf)  }
0xf9: {  	v7 =	vmul.f32 $1.442695020e+00, v10;
	(erf) = vpow2.f32 v4;
	v4 =	vadd.f32 v27, v5  }
0xfa: {  	v14 =	vpop (erf);
	v5 =	vadd.f32 v11, v9  }
0xfb: {  	v2 =	vmul.f32 $1.442695020e+00, v2;
	(erf) = vpow2.f32 v7;
	v23 =	vpop (erf)  }
0xfc: {  	v7 =	vld [tilespmem:s15+$0x50];
	v9 =	vadd.f32 v23, v4;
	v5 =	vadd.f32 v0, v5  }
0xfd: {  	v10 =	vld [tilespmem:s15+$0x70];
	(erf) = vpow2.f32 v2;
	v4 =	vpop (erf)  }
0xfe: {  	v9 =	vadd.f32 v22, v9;
	v5 =	vadd.f32 v13, v5;
	v20 =	vpop (erf)  }
0xff: {  	v2 =	vpop (erf)  }
0x100: {  	v9 =	vadd.f32 v14, v9;
	v5 =	vadd.f32 v20, v5;
	v21 =	vpop (erf)  }
0x101: {  	v15 =	vmul.f32 $1.442695020e+00, v7;
	v7, _, _ =	vpop (xrf2)  }
0x102: {  	v19 =	vmul.f32 $1.442695020e+00, v10;
	v10 =	vpop (erf);
	v9 =	vadd.f32 v12, v9  }
0x103: {  	v58 =	vadd.f32 $0.0e+00, v7;
	v7 =	vpop (erf)  }
0x104: {  	v59 =	vadd.f32 v3, v5;
	(erf) = vpow2.f32 v15;
	v5 =	vpop (erf)  }
0x105: {  	v15 =	vbroadcast v58, $0xF;
	v60 =	vadd.f32 v7, v5  }
0x106: {  	(erf) = vpow2.f32 v19;
	(xrf2) =	vadd.scan.msk.f32 $0xffff, v9;
	v9 =	vpop (erf)  }
0x107: {  	(erf) = vrcp.f32 v15;
	v15 =	vadd.f32 v9, v60;
	_ =	sdelay $0x1  }
0x108: {  	v19 =	vadd.f32 v21, v59;
	v15 =	vadd.f32 v4, v15;
	_ =	sdelay $0x1  }
0x109: {  	(xrf2) =	vadd.scan.msk.f32 $0xffff, v19  }
0x10a: {  	v19 =	vadd.f32 v2, v15  }
0x10b: {  	v15 =	vpop (erf)  }
0x10c: {  	v61 =	vadd.f32 v15, v19;
	_ =	sdelay $0x1  }
0x10d: {  	v63 =	vadd.f32 v10, v61  }
0x10e: {  	v19 =	vpop (erf)  }
0x10f: {  	v62, _, _ =	vpop (xrf2);
	v34 =	vadd.f32 v19, v63  }
0x110: {  	v33 =	vadd.f32 $0.0e+00, v62;
	v32 =	vpop (erf)  }
0x111: {  	v26 =	vmul.f32 v32, v26;
	v29 =	vmul.f32 v32, v29;
	(xrf2) =	vadd.scan.msk.f32 $0xffff, v34  }
0x112: {  	v33 =	vbroadcast v33, $0xF;
	v35 =	vmul.f32 v32, v28;
	v28, _, _ =	vpop (xrf2)  }
0x113: {  	v30 =	vmul.f32 v32, v30;
	v25 =	vmul.f32 v32, v25;
	[tilespmem:s15+$0x1C0] =	vst v26;
	v26 =	vadd.f32 $0.0e+00, v28  }
0x114: {  	v28 =	vmul.f32 v32, v24;
	[tilespmem:s15+$0x1E0] =	vst v29;
	(erf) = vrcp.f32 v33  }
0x115: {  	s17 =	simm.s32 $0x8200;
	s16 =	simm.s32 $0x0;
	v24 =	vmul.f32 v32, v31;
	[tilespmem:s15+$0x1F0] =	vst v35;
	v29 =	vbroadcast v26, $0xF  }
.LBB2_4:
0x116: {  	s16 =	sadd.s32 $0x4, s16;
	v1 =	vmul.f32 v32, v1;
	[tilespmem:s15+$0x1D0] =	vst v30;
	s17 =	sadd.s32 $0x200, s17  }
0x117: {  	p0 =	slt.u32 s16, $0xFC;
	[tilespmem:s15+$0x1B0] =	vst v28;
	(erf) = vrcp.f32 v29  }
0x118: {  	[tilespmem:s15+$0x1A0] =	vst v25  }
0x119: {  	[tilespmem:s15+$0x190] =	vst v1;
	_ =	sdelay $0x1  }
0x11a: {  	v1, _, _ =	vpop (xrf2)  }
0x11b: {  	v1 =	vadd.f32 $0.0e+00, v1  }
0x11c: {  	v25 =	vld [tilespmem:s17+$0x1C0];
	v26 =	vpop (erf)  }
0x11d: {  	v28 =	vld [tilespmem:s17+$0x1E0];
	v30 =	vmul.f32 v26, v27;
	v22 =	vmul.f32 v26, v22  }
0x11e: {  	v18 =	vmul.f32 v26, v18;
	v16 =	vmul.f32 v26, v16;
	v29 =	vld [tilespmem:s17+$0x1F0];
	[tilespmem:s15+$0x180] =	vst v24  }
0x11f: {  	v17 =	vmul.f32 v26, v17;
	v23 =	vmul.f32 v26, v23;
	v24 =	vld [tilespmem:s17+$0x1D0];
	[tilespmem:s15+$0xB0] =	vst v30;
	v27 =	vpop (erf)  }
0x120: {  	v30 =	vld [tilespmem:s17+$0x1B0];
	[tilespmem:s15+$0x80] =	vst v18;
	v6 =	vmul.f32 v27, v6;
	v0 =	vmul.f32 v27, v0  }
0x121: {  	v8 =	vmul.f32 v27, v8;
	v11 =	vmul.f32 v27, v11;
	v18 =	vld [tilespmem:s17+$0x180];
	[tilespmem:s15+$0x90] =	vst v16  }
0x122: {  	v16 =	vld [tilespmem:s17+$0xB0];
	v28 =	vmul.f32 $1.442695020e+00, v28;
	[tilespmem:s15+$0x130] =	vst v0;
	v0 =	vmul.f32 v27, v13  }
0x123: {  	v3 =	vmul.f32 v27, v3;
	v25 =	vmul.f32 $1.442695020e+00, v25;
	v13 =	vld [tilespmem:s17+$0x1A0];
	[tilespmem:s15+$0xD0] =	vst v22  }
0x124: {  	v22 =	vld [tilespmem:s17+$0x130];
	v31 =	vmul.f32 $1.442695020e+00, v24;
	[tilespmem:s15+$0x110] =	vst v6;
	v6 =	vmul.f32 v27, v20  }
0x125: {  	v20 =	vld [tilespmem:s17+$0xD0];
	v24 =	vmul.f32 $1.442695020e+00, v30;
	[tilespmem:s15+$0x100] =	vst v8;
	v8 =	vmul.f32 v27, v21  }
0x126: {  	v1 =	vbroadcast v1, $0xF;
	v27 =	vmul.f32 $1.442695020e+00, v29;
	v21 =	vld [tilespmem:s17+$0x190];
	[tilespmem:s15+$0x120] =	vst v11  }
0x127: {  	v12 =	vmul.f32 v26, v12;
	v11 =	vld [tilespmem:s17+$0x80];
	(erf) = vpow2.f32 v25;
	[tilespmem:s15+$0x160] =	vst v3  }
0x128: {  	v14 =	vmul.f32 v26, v14;
	v3 =	vld [tilespmem:s17+$0x110];
	(erf) = vpow2.f32 v24;
	[tilespmem:s15+$0xA0] =	vst v17  }
0x129: {  	v17 =	vld [tilespmem:s17+$0x90];
	v22 =	vmul.f32 $1.442695020e+00, v22;
	[tilespmem:s15+$0xC0] =	vst v23;
	(erf) = vrcp.f32 v1  }
0x12a: {  	v13 =	vmul.f32 $1.442695020e+00, v13;
	v1 =	vld [tilespmem:s17+$0x100];
	(erf) = vpow2.f32 v27;
	[tilespmem:s15+$0x140] =	vst v0  }
0x12b: {  	v0 =	vld [tilespmem:s17+$0x120];
	v21 =	vmul.f32 $1.442695020e+00, v21;
	(erf) = vpow2.f32 v22;
	[tilespmem:s15+$0x150] =	vst v6  }
0x12c: {  	v18 =	vmul.f32 $1.442695020e+00, v18;
	v6 =	vld [tilespmem:s17+$0x140];
	(erf) = vpow2.f32 v13;
	[tilespmem:s15+$0x170] =	vst v8  }
0x12d: {  	v13 =	vmul.f32 $1.442695020e+00, v20;
	v8 =	vld [tilespmem:s17+$0xC0];
	(erf) = vpow2.f32 v21;
	[tilespmem:s15+$0xE0] =	vst v14  }
0x12e: {  	v3 =	vmul.f32 $1.442695020e+00, v3;
	v14 =	vld [tilespmem:s17+$0x160];
	(erf) = vpow2.f32 v28;
	[tilespmem:s15+$0xF0] =	vst v12  }
0x12f: {  	v12 =	vld [tilespmem:s17+$0xA0];
	(erf) = vpow2.f32 v18  }
0x130: {  	v18 =	vmul.f32 $1.442695020e+00, v1;
	v20 =	vmul.f32 $1.442695020e+00, v0;
	v25 =	vpop (erf)  }
0x131: {  	v17 =	vmul.f32 $1.442695020e+00, v17;
	v21 =	vmul.f32 $1.442695020e+00, v6;
	v24 =	vpop (erf)  }
0x132: {  	v6 =	vmul.f32 $1.442695020e+00, v11;
	(erf) = vpow2.f32 v31;
	v11 =	vpop (erf)  }
0x133: {  	v22 =	vld [tilespmem:s17+$0x150];
	v23 =	vmul.f32 $1.442695020e+00, v14;
	(erf) = vpow2.f32 v3;
	v28 =	vpop (erf)  }
0x134: {  	v3 =	vmul.f32 $1.442695020e+00, v12;
	v0 =	vpop (erf);
	v12 =	vmul.f32 v11, v19  }
0x135: {  	v10 =	vmul.f32 v11, v10;
	v14 =	vld [tilespmem:s17+$0xE0];
	(erf) = vpow2.f32 v23;
	v26 =	vpop (erf)  }
0x136: {  	v16 =	vmul.f32 $1.442695020e+00, v16;
	v4 =	vmul.f32 v11, v4;
	v1 =	vpop (erf);
	[tilespmem:s15+$0x70] =	vst v12  }
0x137: {  	v12 =	vmul.f32 v11, v15;
	(erf) = vpow2.f32 v18;
	v30 =	vpop (erf);
	[tilespmem:s15+$0x60] =	vst v10  }
0x138: {  	v2 =	vmul.f32 v11, v2;
	v15 =	vmul.f32 $1.442695020e+00, v8;
	v10 =	vld [tilespmem:s17+$0x60];
	v29 =	vpop (erf);
	[tilespmem:s15+$0x30] =	vst v4  }
0x139: {  	v9 =	vmul.f32 v11, v9;
	v4 =	vld [tilespmem:s17+$0xF0];
	v8 =	vadd.f32 v1, v29;
	(erf) = vpow2.f32 v20;
	[tilespmem:s15+$0x50] =	vst v12  }
0x13a: {  	v7 =	vmul.f32 v11, v7;
	v12 =	vld [tilespmem:s17+$0x70];
	v14 =	vmul.f32 $1.442695020e+00, v14;
	[tilespmem:s15+$0x40] =	vst v2  }
0x13b: {  	v5 =	vmul.f32 v11, v5;
	v2 =	vld [tilespmem:s17+$0x170];
	v8 =	vadd.f32 v26, v8;
	(erf) = vpow2.f32 v17;
	v31 =	vpop (erf);
	[tilespmem:s15+$0x20] =	vst v9  }
0x13c: {  	v17 =	vmul.f32 $1.442695020e+00, v22;
	v9 =	vld [tilespmem:s17+$0x30];
	(erf) = vpow2.f32 v6;
	v6 =	vpop (erf);
	[tilespmem:s15+$0x10] =	vst v7  }
0x13d: {  	v7 =	vld [tilespmem:s17+$0x40];
	v10 =	vmul.f32 $1.442695020e+00, v10;
	v11 =	vadd.f32 v24, v8;
	(erf) = vpow2.f32 v21;
	[tilespmem:s15+$0x0] =	vst v5;
	s15 =	smov.u32 s17  }
0x13e: {  	v4 =	vmul.f32 $1.442695020e+00, v4;
	(erf) = vpow2.f32 v3;
	v3 =	vpop (erf)  }
0x13f: {  	v19 =	vmul.f32 $1.442695020e+00, v12;
	v5 =	vadd.f32 v25, v11;
	(erf) = vpow2.f32 v13  }
0x140: {  	v2 =	vmul.f32 $1.442695020e+00, v2;
	(erf) = vpow2.f32 v4;
	v8 =	vpop (erf)  }
0x141: {  	v4 =	vadd.f32 v6, v8;
	v5 =	vadd.f32 v31, v5;
	(erf) = vpow2.f32 v16  }
0x142: {  	v9 =	vmul.f32 $1.442695020e+00, v9;
	(erf) = vpow2.f32 v14;
	v11 =	vpop (erf)  }
0x143: {  	v12 =	vld [tilespmem:s17+$0x10];
	v4 =	vadd.f32 v11, v4;
	v5 =	vadd.f32 v30, v5;
	(erf) = vpow2.f32 v15  }
0x144: {  	v7 =	vmul.f32 $1.442695020e+00, v7;
	v14 =	vld [tilespmem:s17+$0x0];
	(erf) = vpow2.f32 v9;
	v16 =	vpop (erf)  }
0x145: {  	v4 =	vadd.f32 v0, v4;
	v5 =	vadd.f32 v28, v5;
	v18 =	vpop (erf);
	(erf) = vpow2.f32 v17  }
0x146: {  	v9 =	vld [tilespmem:s17+$0x20];
	v15 =	vadd.f32 v16, v18;
	(erf) = vpow2.f32 v7;
	v13 =	vpop (erf)  }
0x147: {  	v7 =	vadd.f32 v13, v4;
	v17 =	vpop (erf);
	(erf) = vpow2.f32 v2  }
0x148: {  	v2 =	vmul.f32 $1.442695020e+00, v12;
	v4 =	vadd.f32 v17, v15;
	(erf) = vpow2.f32 v10;
	v22 =	vpop (erf);
	(xrf2) =	vadd.scan.msk.f32 $0xffff, v5  }
0x149: {  	v5 =	vmul.f32 $1.442695020e+00, v14;
	v12 =	vpop (erf)  }
0x14a: {  	(erf) = vpow2.f32 v2;
	v27 =	vpop (erf)  }
0x14b: {  	v2 =	vmul.f32 $1.442695020e+00, v9;
	v10 =	vadd.f32 v27, v4;
	(erf) = vpow2.f32 v5;
	v14 =	vpop (erf)  }
0x14c: {  	v5 =	vld [tilespmem:s17+$0x50];
	v23 =	vpop (erf)  }
0x14d: {  	v9 =	vadd.f32 v23, v10;
	(erf) = vpow2.f32 v2;
	v4 =	vpop (erf)  }
0x14e: {  	v20 =	vpop (erf)  }
0x14f: {  	v9 =	vadd.f32 v22, v9;
	v7 =	vadd.f32 v20, v7;
	v2 =	vpop (erf)  }
0x150: {  	v21 =	vpop (erf)  }
0x151: {  	v35 =	vmul.f32 $1.442695020e+00, v5;
	v9 =	vadd.f32 v14, v9;
	v34 =	vadd.f32 v3, v7;
	v10 =	vpop (erf)  }
0x152: {  	v15, _, _ =	vpop (xrf2)  }
0x153: {  	v32 =	vadd.f32 v12, v9;
	v33 =	vadd.f32 v21, v34;
	v7 =	vpop (erf);
	(erf) = vpow2.f32 v35  }
0x154: {  	v35 =	vadd.f32 $0.0e+00, v15;
	v5 =	vpop (erf)  }
0x155: {  	v15 =	vadd.f32 v7, v5  }
0x156: {  	v34 =	vbroadcast v35, $0xF;
	v9 =	vpop (erf)  }
0x157: {  	v15 =	vadd.f32 v9, v15;
	(erf) = vpow2.f32 v19;
	(xrf2) =	vadd.scan.msk.f32 $0xffff, v32;
	_ =	sdelay $0x1  }
0x158: {  	v32 =	vadd.f32 v4, v15;
	(erf) = vrcp.f32 v34  }
0x159: {  	(xrf2) =	vadd.scan.msk.f32 $0xffff, v33  }
0x15a: {  	v19 =	vadd.f32 v2, v32  }
0x15b: {  	v15 =	vpop (erf)  }
0x15c: {  	v33 =	vadd.f32 v15, v19;
	_ =	sdelay $0x1  }
0x15d: {  	v34 =	vadd.f32 v10, v33  }
0x15e: {  	v19 =	vpop (erf)  }
0x15f: {  	v33 =	vadd.f32 v19, v34;
	v32, _, _ =	vpop (xrf2)  }
0x160: {  	v34 =	vadd.f32 $0.0e+00, v32;
	v32 =	vpop (erf)  }
.Ltmp1:
0x161: {  	v25 =	vmul.f32 v32, v25;
	v35 =	vmul.f32 v32, v30;
	(xrf2) =	vadd.scan.msk.f32 $0xffff, v33;
	(pc) =	sbr.rel @p0 .LBB2_4-.Ltmp1, $4  }
0x162: {  	v33 =	vbroadcast v34, $0xF;
	v34 =	vmul.f32 v32, v28;
	v28, _, _ =	vpop (xrf2)  }
0x163: {  	v30 =	vmul.f32 v32, v31;
	v36 =	vadd.f32 $0.0e+00, v28;
	v28 =	vmul.f32 v32, v24;
	[tilespmem:s17+$0x1C0] =	vst v25  }
0x164: {  	v24 =	vmul.f32 v32, v29;
	[tilespmem:s17+$0x1E0] =	vst v35;
	(erf) = vrcp.f32 v33  }
0x165: {  	v25 =	vmul.f32 v32, v26;
	v29 =	vbroadcast v36, $0xF;
	[tilespmem:s17+$0x1F0] =	vst v34  }
0x166: {  	_ =	sdelay $0x4  }
0x167: {  	[tilespmem:s15+$0x1D0] =	vst v30  }
0x168: {  	[tilespmem:s15+$0x1B0] =	vst v28;
	(erf) = vrcp.f32 v29  }
0x169: {  	v1 =	vmul.f32 v32, v1;
	[tilespmem:s15+$0x180] =	vst v24;
	v42 =	vpop (erf)  }
0x16a: {  	[tilespmem:s15+$0x1A0] =	vst v25;
	v43 =	vmul.f32 v42, v27  }
0x16b: {  	[tilespmem:s15+$0x190] =	vst v1;
	v26, _, _ =	vpop (xrf2);
	v18 =	vmul.f32 v42, v18  }
0x16c: {  	v44 =	vadd.f32 $0.0e+00, v26;
	v16 =	vmul.f32 v42, v16;
	[tilespmem:s15+$0xB0] =	vst v43  }
0x16d: {  	v46 =	vmul.f32 v42, v22;
	[tilespmem:s15+$0x80] =	vst v18  }
0x16e: {  	v47 =	vbroadcast v44, $0xF;
	v50 =	vmul.f32 v42, v17;
	[tilespmem:s15+$0x90] =	vst v16  }
0x16f: {  	v51 =	vmul.f32 v42, v23;
	[tilespmem:s15+$0xD0] =	vst v46  }
0x170: {  	v54 =	vmul.f32 v42, v14;
	(erf) = vrcp.f32 v47;
	[tilespmem:s15+$0xA0] =	vst v50  }
0x171: {  	v55 =	vmul.f32 v42, v12;
	v45 =	vpop (erf);
	[tilespmem:s15+$0xC0] =	vst v51  }
0x172: {  	[tilespmem:s15+$0xE0] =	vst v54;
	v0 =	vmul.f32 v45, v0  }
0x173: {  	[tilespmem:s15+$0xF0] =	vst v55;
	v6 =	vmul.f32 v45, v6  }
0x174: {  	v48 =	vmul.f32 v45, v8;
	[tilespmem:s15+$0x130] =	vst v0  }
0x175: {  	v49 =	vmul.f32 v45, v11;
	[tilespmem:s15+$0x110] =	vst v6  }
0x176: {  	v3 =	vmul.f32 v45, v3;
	[tilespmem:s15+$0x100] =	vst v48  }
0x177: {  	v52 =	vmul.f32 v45, v13;
	[tilespmem:s15+$0x120] =	vst v49  }
0x178: {  	v53 =	vmul.f32 v45, v20;
	[tilespmem:s15+$0x160] =	vst v3  }
0x179: {  	v1 =	vmul.f32 v45, v21;
	[tilespmem:s15+$0x140] =	vst v52;
	v56 =	vpop (erf)  }
0x17a: {  	[tilespmem:s15+$0x150] =	vst v53;
	v57 =	vmul.f32 v56, v19  }
0x17b: {  	[tilespmem:s15+$0x170] =	vst v1;
	v58 =	vmul.f32 v56, v10  }
0x17c: {  	v4 =	vmul.f32 v56, v4;
	[tilespmem:s15+$0x70] =	vst v57  }
0x17d: {  	v59 =	vmul.f32 v56, v15;
	[tilespmem:s15+$0x60] =	vst v58  }
0x17e: {  	v60 =	vmul.f32 v56, v2;
	[tilespmem:s15+$0x30] =	vst v4  }
0x17f: {  	v61 =	vmul.f32 v56, v9;
	[tilespmem:s15+$0x50] =	vst v59  }
0x180: {  	v62 =	vmul.f32 v56, v7;
	[tilespmem:s15+$0x40] =	vst v60  }
0x181: {  	v63 =	vmul.f32 v56, v5;
	[tilespmem:s15+$0x20] =	vst v61  }
0x182: {  	[tilespmem:s15+$0x10] =	vst v62  }
0x183: {  	s14 =	sadd.s32 $0x1, s14;
	[tilespmem:s15+$0x0] =	vst v63  }
0x184: {  	[hbm4b:s6+s3] =	stream.linear.scatter [tilespmem:s11], [sflag:$0x2], $0x8000, $0x38;
	[tilespmem:$0x10200] =	vst v63  }
0x185: {  	p0 =	sne.s32 s14, s7;
	_ =	swait.ge [sflag:s13], $0x8000  }
.Ltmp2:
0x186: {  	[sflag:s13] =	ssyncset.done $0x0;
	(pc) =	sbr.rel @p0 .LBB2_1-.Ltmp2, $4  }
0x187: {  	[sflag:s13] =	ssyncadd.s32 $0xFFFF8000  }
0x188: {  	_ =	swait.ge [sflag:s13], $0x8000  }
0x189: {  	[sflag:s13] =	ssyncset.done $0x0  }
0x18a: {  	[sflag:s13] =	ssyncadd.s32 $0xFFFF8000  }
0x18b: {  	_ =	sfence.sel $0x180000  }
0x18c: {  	[bflag:$0x0] =	sbarrier.arrive $0xFFFF  }
0x18d: {  	p0 =	sne.s32 s2, $0x0;
	_ =	strace $0x90000047  }
0x18e: {  	s0 =	sadd.s32 @!p0 $0x100000, s0;
	[bflag:$0x2] =	sbarrier.arrive $0xFFFF  }
0x18f: {  	[sflag:s0] =	ssyncadd.tile.s32 @!p0 $0x1;
	_ =	shalt  }
.Lfunc_end2:
_tile_overlayer_lowered:
.L_overlay_start_2:
0x190: {  	(tag) =	ssettag $0x2  }
0x191: {  	s0 =	rddreg [dreg:$0x0];
	s2 =	stileid.u32  }
0x192: {  	s1 =	rddreg [dreg:$0x1];
	p0 =	sne.s32 s2, $0x0  }
0x193: {  	s3 =	rddreg [dreg:$0x2];
	[bflag:$0x3] =	sbarrier.arrive $0xFFFF;
	s2 =	simm.s32 @!p0 $0x1C03  }
0x194: {  	[timem:s3], [sflag:s2] =	dma.local @!p0 [hbm:s0], s1  }
0x195: {  	s0 =	simm.s32 @!p0 $0x3  }
0x196: {  	_ =	swait.ge @!p0 [sflag:s0], s1  }
0x197: {  	s1 =	ssub.s32 @!p0 $0x0, s1;
	[sflag:s0] =	ssyncset.done @!p0 $0x0  }
0x198: {  	[sflag:s0] =	ssyncadd.s32 @!p0 s1  }
0x199: {  	[bflag:$0x3] =	sbarrier.arrive $0xFFFF  }
0x19a: {  	_ =	shalt  }

</sc_bundles>
